<compile_context>
chip_gen: v7x
topology: tpu7x:2x2x1
jax: 0.10.2.dev20260603
libtpu: 0.0.44.dev20260713+nightly
codegen_flags: <defaults>
</compile_context>

<pallas_src>
import functools

import jax
import jax.numpy as jnp
from jax import lax
from jax.experimental import pallas as pl
from jax.experimental.pallas import tpu as pltpu
from jax.experimental.pallas import tpu_sc as plsc

_POOL = 16384
_B = 32
_S = 197
_C = 768
_K = 5
_L = 5
_BLK = 2048
_NB = _POOL // _BLK


def _sim_topk_body(x_ref, key_ref, sim_ref, idx_ref, rs_ref, xn_ref, rv_ref, ri_ref):
    i = pl.program_id(0)

    @pl.when(i == 0)
    def _():
        xm = jnp.sum(x_ref[...], axis=0) * (1.0 / _S)
        ssq = jnp.sum(xm * xm, axis=1, keepdims=True)
        xn_ref[...] = (xm * lax.rsqrt(jnp.maximum(ssq, 1e-12))).astype(jnp.bfloat16)
        rv_ref[...] = jnp.full((8, _B), -jnp.inf, jnp.float32)
        ri_ref[...] = jnp.full((8, _B), _POOL, jnp.int32)

    kb = key_ref[...]
    ssq = jnp.sum(kb * kb, axis=1, keepdims=True)
    knb = (kb * lax.rsqrt(jnp.maximum(ssq, 1e-12))).astype(jnp.bfloat16)
    xnb = xn_ref[...]
    simt_b = lax.dot_general(knb, xnb, (((1,), (1,)), ((), ())),
                             preferred_element_type=jnp.float32)
    sim_b = lax.dot_general(xnb, knb, (((1,), (1,)), ((), ())),
                            preferred_element_type=jnp.float32)
    sim_ref[:, pl.ds(i * _BLK, _BLK)] = sim_b

    _CH = 512
    rows0 = lax.broadcasted_iota(jnp.int32, (_CH, _B), 0) + i * _BLK
    cand_v = [rv_ref[pl.ds(0, _K)]]
    cand_i = [ri_ref[pl.ds(0, _K)]]
    for c in range(_BLK // _CH):
        bv = simt_b[c * _CH:(c + 1) * _CH, :]
        rws = rows0 + c * _CH
        for _ in range(_K):
            m = jnp.max(bv, axis=0, keepdims=True)
            am = jnp.min(jnp.where(bv == m, rws, _POOL), axis=0, keepdims=True)
            cand_v.append(m)
            cand_i.append(am)
            bv = jnp.where(rws == am, -jnp.inf, bv)

    allv = jnp.concatenate(cand_v, axis=0)
    alli = jnp.concatenate(cand_i, axis=0)
    new_v, new_i = [], []
    for _ in range(_K):
        m = jnp.max(allv, axis=0, keepdims=True)
        am = jnp.min(jnp.where(allv == m, alli, _POOL), axis=0, keepdims=True)
        new_v.append(m)
        new_i.append(am)
        allv = jnp.where(alli == am, -jnp.inf, allv)
    padf = jnp.full((8 - _K, _B), -jnp.inf, jnp.float32)
    padi = jnp.full((8 - _K, _B), _POOL, jnp.int32)
    rv_ref[...] = jnp.concatenate(new_v + [padf], axis=0)
    ri_ref[...] = jnp.concatenate(new_i + [padi], axis=0)

    @pl.when(i == _NB - 1)
    def _():
        padz = jnp.zeros((8 - _K, _B), jnp.int32)
        idx_ref[...] = jnp.concatenate(new_i + [padz], axis=0)
        rs_ref[0, 0] = jnp.sum(jnp.concatenate(new_v, axis=0)) * (1.0 / _B)


def _sim_topk(x_seq_major, prompt_key):
    return pl.pallas_call(
        _sim_topk_body,
        grid=(_NB,),
        in_specs=[
            pl.BlockSpec((_S, _B, _C), lambda i: (0, 0, 0)),
            pl.BlockSpec((_BLK, _C), lambda i: (i, 0)),
        ],
        out_specs=[
            pl.BlockSpec((_B, _POOL), lambda i: (0, 0)),
            pl.BlockSpec((8, _B), lambda i: (0, 0)),
            pl.BlockSpec(memory_space=pltpu.MemorySpace.SMEM),
        ],
        out_shape=[
            jax.ShapeDtypeStruct((_B, _POOL), jnp.float32),
            jax.ShapeDtypeStruct((8, _B), jnp.int32),
            jax.ShapeDtypeStruct((1, 1), jnp.float32),
        ],
        scratch_shapes=[
            pltpu.VMEM((_B, _C), jnp.bfloat16),
            pltpu.VMEM((8, _B), jnp.float32),
            pltpu.VMEM((8, _B), jnp.int32),
        ],
    )(x_seq_major, prompt_key)


def _sc_gather(table_flat, idxt):
    info = plsc.get_sparse_core_info()
    mesh = plsc.VectorSubcoreMesh(core_axis_name="c", subcore_axis_name="s")

    @functools.partial(
        pl.kernel,
        mesh=mesh,
        out_type=jax.ShapeDtypeStruct((_K * _L, _B, _C), jnp.float32),
        scratch_types=[
            pltpu.VMEM((_B,), jnp.int32),
            pltpu.VMEM((_B, _C), jnp.float32),
            pltpu.SemaphoreType.DMA,
        ],
    )
    def gather_k(table_hbm, idx_hbm, out_hbm, myidx_v, rows_v, sem):
        t = lax.axis_index("s") * info.num_cores + lax.axis_index("c")

        @pl.when(t < _K * _L)
        def _():
            k = t // _L
            l = t % _L
            pltpu.sync_copy(idx_hbm.at[k], myidx_v)
            off = l * _POOL
            myidx_v[pl.ds(0, 16)] = myidx_v[pl.ds(0, 16)] + off
            myidx_v[pl.ds(16, 16)] = myidx_v[pl.ds(16, 16)] + off
            pltpu.async_copy(table_hbm.at[myidx_v], rows_v, sem).wait()
            pltpu.sync_copy(rows_v, out_hbm.at[t])

    return gather_k(table_flat, idxt)


def kernel(x_embed, prompt, prompt_key):
    x_seq_major = jnp.transpose(x_embed, (1, 0, 2))
    sim, idxt, rs = _sim_topk(x_seq_major, prompt_key)
    table_flat = jnp.transpose(prompt, (0, 2, 1, 3)).reshape(_L * _POOL, _C)
    gathered = _sc_gather(table_flat, idxt)
    batched_prompt = jnp.transpose(gathered, (1, 0, 2)).reshape(1, _B, _K * _L, _C)
    return batched_prompt, rs[0, 0], sim

# --- scband reference (transcript-rebuilt; emitter-appended) ---
"""Pipeline reference for scband-multi-prompt-16930761081171 (READ-ONLY COPY).

The authoritative reference and input builder live on the scoring server;
editing this copy changes nothing except your own understanding.
"""

import jax, jax.numpy as jnp
import numpy as np

POOL_SIZE = 16384
LENGTH = 5
EMBED_DIM = 768
NUM_LAYERS = 1
TOP_K = 5
BATCH = 32
SEQ = 197


def l2_normalize(x, axis=None, epsilon=1e-12):
    square_sum = jnp.sum(x ** 2, axis=axis, keepdims=True)
    x_inv_norm = jax.lax.rsqrt(jnp.maximum(square_sum, epsilon))
    return x * x_inv_norm


def setup_inputs(seed: int = 0) -> dict:
    key = jax.random.key(seed)
    k1, k2, k3 = jax.random.split(key, 3)
    x_embed = jax.random.normal(k1, (BATCH, SEQ, EMBED_DIM), dtype=jnp.float32)
    prompt = jax.random.uniform(k2, (NUM_LAYERS, POOL_SIZE, LENGTH, EMBED_DIM), minval=-1.0, maxval=1.0, dtype=jnp.float32)
    prompt_key = jax.random.uniform(k3, (POOL_SIZE, EMBED_DIM), minval=-1.0, maxval=1.0, dtype=jnp.float32)
    return {"x_embed": x_embed, "prompt": prompt, "prompt_key": prompt_key}


def reference(x_embed, prompt, prompt_key):
    # embedding_key == 'mean'
    x_embed_mean = jnp.mean(x_embed, axis=1)                      # [B, C]
    prompt_key_norm = l2_normalize(prompt_key, axis=1)            # [pool, C]
    x_embed_norm = l2_normalize(x_embed_mean, axis=1)             # [B, C]
    similarity = jnp.matmul(prompt_key_norm, x_embed_norm.T)      # [pool, B]
    similarity = similarity.T                                     # [B, pool]
    similarity_top_k, idx = jax.lax.top_k(similarity, TOP_K)      # [B, top_k]
    # non-prefix-tune path: gather selected prompts
    batched_prompt_raw = prompt[:, idx]                           # [L, B, top_k, length, C]
    num_layers, batch_size, top_k, length, c = batched_prompt_raw.shape
    batched_prompt = batched_prompt_raw.reshape(num_layers, batch_size, top_k * length, c)
    batched_key_norm = prompt_key_norm[idx]                       # [B, top_k, C]
    x_emb_n = x_embed_norm[:, None, :]                            # [B, 1, C]
    sim = batched_key_norm * x_emb_n
    reduce_sim = jnp.sum(sim) / x_embed.shape[0]
    return batched_prompt, reduce_sim, similarity

if __name__ == "__main__":
    import jax
    _d = setup_inputs()
    print(jax.jit(kernel)(*tuple(_d.values())))

</pallas_src>

<mosaic_0001>
#map = affine_map<(d0, d1) -> (0, 0)>
#map1 = affine_map<(d0, d1) -> (0, 0, 0)>
module attributes {stable_mosaic.version = 14 : i64} {
  func.func @gather_k(%arg0: i32, %arg1: i32, %arg2: memref<81920x768xf32, #tpu.memory_space<hbm>>, %arg3: memref<8x32xi32, #tpu.memory_space<hbm>>, %arg4: memref<25x32x768xf32, #tpu.memory_space<hbm>>, %arg5: memref<32xi32, #tpu.memory_space<vmem>>, %arg6: memref<32x768xf32, #tpu.memory_space<vmem>>, %arg7: memref<!tpu.dma_semaphore, #tpu.memory_space<semaphore_mem>>) attributes {dimension_semantics = [#tpu.dimension_semantics<core_parallel>, #tpu.dimension_semantics<subcore_parallel>], iteration_bounds = array<i64: 2, 16>, scalar_prefetch = 0 : i64, scratch_operands = 3 : i64, tpu.core_type = #tpu.core_type<sc_vector_subcore>, window_params = [{transform_indices = #map}, {transform_indices = #map}, {transform_indices = #map1}]} {
    %mul3A = arith.constant 2 : i32
    %mul3A_0 = arith.muli %arg1, %mul3A : i32
    %add3A = arith.addi %mul3A_0, %arg0 : i32
    %lt3A = arith.constant 25 : i32
    %lt3A_1 = arith.cmpi slt, %add3A, %lt3A : i32
    %convert_element_type3A = arith.extui %lt3A_1 : i1 to i32
    %cond3A = arith.constant 0 : i32
    %cond3A_2 = arith.cmpi ne, %convert_element_type3A, %cond3A : i32
    scf.if %cond3A_2 {
      %jit3A = arith.constant 5 : i32
      %div3A = arith.divsi %add3A, %jit3A : i32
      %sign3A = arith.constant 0 : i32
      %sign3A_3 = arith.cmpi sgt, %add3A, %sign3A : i32
      %sign3A_4 = arith.extui %sign3A_3 : i1 to i32
      %sign3A_5 = arith.constant 0 : i32
      %sign3A_6 = arith.cmpi slt, %add3A, %sign3A_5 : i32
      %sign3A_7 = arith.extui %sign3A_6 : i1 to i32
      %sign3A_8 = arith.subi %sign3A_4, %sign3A_7 : i32
      %sign3A_9 = arith.constant 0 : i32
      %sign3A_10 = arith.cmpi sgt, %jit3A, %sign3A_9 : i32
      %sign3A_11 = arith.extui %sign3A_10 : i1 to i32
      %sign3A_12 = arith.constant 0 : i32
      %sign3A_13 = arith.cmpi slt, %jit3A, %sign3A_12 : i32
      %sign3A_14 = arith.extui %sign3A_13 : i1 to i32
      %sign3A_15 = arith.subi %sign3A_11, %sign3A_14 : i32
      %ne3A = arith.cmpi ne, %sign3A_8, %sign3A_15 : i32
      %rem3A = arith.remsi %add3A, %jit3A : i32
      %ne3A_16 = arith.constant 0 : i32
      %ne3A_17 = arith.cmpi ne, %rem3A, %ne3A_16 : i32
      %and3A = arith.andi %ne3A, %ne3A_17 : i1
      %sub3A = arith.constant 1 : i32
      %sub3A_18 = arith.subi %div3A, %sub3A : i32
      %select_n3A = arith.select %and3A, %sub3A_18, %div3A : i32
      %jit3A_19 = arith.constant 5 : i32
      %eq3A = arith.constant 0 : i32
      %eq3A_20 = arith.cmpi eq, %jit3A_19, %eq3A : i32
      %jit3A_21 = arith.constant 1 : i32
      %select_n3A_22 = arith.select %eq3A_20, %jit3A_21, %jit3A_19 : i32
      %rem3A_23 = arith.remsi %add3A, %select_n3A_22 : i32
      %ne3A_24 = arith.constant 0 : i32
      %ne3A_25 = arith.cmpi ne, %rem3A_23, %ne3A_24 : i32
      %lt3A_26 = arith.constant 0 : i32
      %lt3A_27 = arith.cmpi slt, %rem3A_23, %lt3A_26 : i32
      %lt3A_28 = arith.constant 0 : i32
      %lt3A_29 = arith.cmpi slt, %select_n3A_22, %lt3A_28 : i32
      %ne3A_30 = arith.xori %lt3A_27, %lt3A_29 : i1
      %and3A_31 = arith.andi %ne3A_30, %ne3A_25 : i1
      %add3A_32 = arith.addi %rem3A_23, %select_n3A_22 : i32
      %select_n3A_33 = arith.select %and3A_31, %add3A_32, %rem3A_23 : i32
      "tpu.region"() ({
        %run_scoped3A = tpu.sem_alloc : memref<!tpu.dma_semaphore, #tpu.memory_space<semaphore_mem>>
        %dma_start3A_56 = arith.constant 0 : i32
        %dma_start3A_57 = tpu.memref_slice %arg3[%select_n3A, %dma_start3A_56] : memref<8x32xi32, #tpu.memory_space<hbm>> -> memref<1x32xi32, #tpu.memory_space<hbm>>
        %dma_start3A_58 = tpu.memref_squeeze %dma_start3A_57 : memref<1x32xi32, #tpu.memory_space<hbm>> -> memref<32xi32, #tpu.memory_space<hbm>>
        %dma_start3A_59 = arith.constant 0 : i32
        %dma_start3A_60 = tpu.memref_slice %arg3[%select_n3A, %dma_start3A_59] : memref<8x32xi32, #tpu.memory_space<hbm>> -> memref<1x32xi32, #tpu.memory_space<hbm>>
        %dma_start3A_61 = tpu.memref_squeeze %dma_start3A_60 : memref<1x32xi32, #tpu.memory_space<hbm>> -> memref<32xi32, #tpu.memory_space<hbm>>
        tpu.enqueue_dma source(%dma_start3A_61 : memref<32xi32, #tpu.memory_space<hbm>>) target(%arg5 : memref<32xi32, #tpu.memory_space<vmem>>) target_semaphore(%run_scoped3A : memref<!tpu.dma_semaphore, #tpu.memory_space<semaphore_mem>>)
        %dma_wait3A_62 = arith.constant 0 : i32
        %dma_wait3A_63 = tpu.memref_slice %arg3[%select_n3A, %dma_wait3A_62] : memref<8x32xi32, #tpu.memory_space<hbm>> -> memref<1x32xi32, #tpu.memory_space<hbm>>
        %dma_wait3A_64 = tpu.memref_squeeze %dma_wait3A_63 : memref<1x32xi32, #tpu.memory_space<hbm>> -> memref<32xi32, #tpu.memory_space<hbm>>
        %dma_wait3A_65 = arith.constant 0 : i32
        %dma_wait3A_66 = tpu.memref_slice %arg3[%select_n3A, %dma_wait3A_65] : memref<8x32xi32, #tpu.memory_space<hbm>> -> memref<1x32xi32, #tpu.memory_space<hbm>>
        %dma_wait3A_67 = tpu.memref_squeeze %dma_wait3A_66 : memref<1x32xi32, #tpu.memory_space<hbm>> -> memref<32xi32, #tpu.memory_space<hbm>>
        tpu.wait_dma2 semaphore(%run_scoped3A : memref<!tpu.dma_semaphore, #tpu.memory_space<semaphore_mem>>) src(%dma_wait3A_67 : memref<32xi32, #tpu.memory_space<hbm>>) dst(%arg5 : memref<32xi32, #tpu.memory_space<vmem>>)
        tpu.yield
      }) : () -> ()
      %mul3A_34 = arith.constant 16384 : i32
      %mul3A_35 = arith.muli %select_n3A_33, %mul3A_34 : i32
      %get3A = arith.constant 0 : index
      %get3A_36 = tpu.vector_load %arg5[%get3A] {strides = array<i32>} : memref<32xi32, #tpu.memory_space<vmem>>, vector<16xi32>,
      %get3A_37 = vector.shape_cast %get3A_36 : vector<16xi32> to vector<16xi32>
      %add3A_38 = vector.broadcast %mul3A_35 : i32 to vector<16xi32>
      %add3A_39 = arith.addi %get3A_37, %add3A_38 : vector<16xi32>
      %swap3A = arith.constant 0 : index
      %swap3A_40 = tpu.vector_load %arg5[%swap3A] {strides = array<i32>} : memref<32xi32, #tpu.memory_space<vmem>>, vector<16xi32>,
      %swap3A_41 = vector.shape_cast %swap3A_40 : vector<16xi32> to vector<16xi32>
      %swap3A_42 = vector.shape_cast %add3A_39 : vector<16xi32> to vector<16xi32>
      tpu.vector_store %arg5[%swap3A], %swap3A_42 {strides = array<i32>} : memref<32xi32, #tpu.memory_space<vmem>>, vector<16xi32>,
      %get3A_43 = arith.constant 16 : index
      %get3A_44 = tpu.vector_load %arg5[%get3A_43] {strides = array<i32>} : memref<32xi32, #tpu.memory_space<vmem>>, vector<16xi32>,
      %get3A_45 = vector.shape_cast %get3A_44 : vector<16xi32> to vector<16xi32>
      %add3A_46 = vector.broadcast %mul3A_35 : i32 to vector<16xi32>
      %add3A_47 = arith.addi %get3A_45, %add3A_46 : vector<16xi32>
      %swap3A_48 = arith.constant 16 : index
      %swap3A_49 = tpu.vector_load %arg5[%swap3A_48] {strides = array<i32>} : memref<32xi32, #tpu.memory_space<vmem>>, vector<16xi32>,
      %swap3A_50 = vector.shape_cast %swap3A_49 : vector<16xi32> to vector<16xi32>
      %swap3A_51 = vector.shape_cast %add3A_47 : vector<16xi32> to vector<16xi32>
      tpu.vector_store %arg5[%swap3A_48], %swap3A_51 {strides = array<i32>} : memref<32xi32, #tpu.memory_space<vmem>>, vector<16xi32>,
      %dma_start3A = arith.constant 0 : i32
      %dma_start3A_52 = arith.constant 0 : i32
      %dma_start3A_53 = tpu.memref_slice %arg2[%dma_start3A, %dma_start3A_52] : memref<81920x768xf32, #tpu.memory_space<hbm>> -> memref<81920x768xf32, #tpu.memory_space<hbm>>
      tpu.enqueue_indirect_dma source(%dma_start3A_53 : memref<81920x768xf32, #tpu.memory_space<hbm>>) target(%arg6 : memref<32x768xf32, #tpu.memory_space<vmem>>) offsets(%arg5 : memref<32xi32, #tpu.memory_space<vmem>>) semaphore(%arg7 : memref<!tpu.dma_semaphore, #tpu.memory_space<semaphore_mem>>)
      %dma_wait3A = arith.constant 0 : i32
      %dma_wait3A_54 = arith.constant 0 : i32
      %dma_wait3A_55 = tpu.memref_slice %arg2[%dma_wait3A, %dma_wait3A_54] : memref<81920x768xf32, #tpu.memory_space<hbm>> -> memref<81920x768xf32, #tpu.memory_space<hbm>>
      tpu.wait_indirect_dma semaphore(%arg7 : memref<!tpu.dma_semaphore, #tpu.memory_space<semaphore_mem>>) src(%dma_wait3A_55 : memref<81920x768xf32, #tpu.memory_space<hbm>>) dst(%arg6 : memref<32x768xf32, #tpu.memory_space<vmem>>)
      "tpu.region"() ({
        %run_scoped3A = tpu.sem_alloc : memref<!tpu.dma_semaphore, #tpu.memory_space<semaphore_mem>>
        %dma_start3A_56 = arith.constant 0 : i32
        %dma_start3A_57 = arith.constant 0 : i32
        %dma_start3A_58 = tpu.memref_slice %arg4[%add3A, %dma_start3A_56, %dma_start3A_57] : memref<25x32x768xf32, #tpu.memory_space<hbm>> -> memref<1x32x768xf32, #tpu.memory_space<hbm>>
        %dma_start3A_59 = tpu.memref_squeeze %dma_start3A_58 : memref<1x32x768xf32, #tpu.memory_space<hbm>> -> memref<32x768xf32, #tpu.memory_space<hbm>>
        %dma_start3A_60 = arith.constant 0 : i32
        %dma_start3A_61 = arith.constant 0 : i32
        %dma_start3A_62 = tpu.memref_slice %arg4[%add3A, %dma_start3A_60, %dma_start3A_61] : memref<25x32x768xf32, #tpu.memory_space<hbm>> -> memref<1x32x768xf32, #tpu.memory_space<hbm>>
        %dma_start3A_63 = tpu.memref_squeeze %dma_start3A_62 : memref<1x32x768xf32, #tpu.memory_space<hbm>> -> memref<32x768xf32, #tpu.memory_space<hbm>>
        tpu.enqueue_dma source(%arg6 : memref<32x768xf32, #tpu.memory_space<vmem>>) target(%dma_start3A_63 : memref<32x768xf32, #tpu.memory_space<hbm>>) target_semaphore(%run_scoped3A : memref<!tpu.dma_semaphore, #tpu.memory_space<semaphore_mem>>)
        %dma_wait3A_64 = arith.constant 0 : i32
        %dma_wait3A_65 = arith.constant 0 : i32
        %dma_wait3A_66 = tpu.memref_slice %arg4[%add3A, %dma_wait3A_64, %dma_wait3A_65] : memref<25x32x768xf32, #tpu.memory_space<hbm>> -> memref<1x32x768xf32, #tpu.memory_space<hbm>>
        %dma_wait3A_67 = tpu.memref_squeeze %dma_wait3A_66 : memref<1x32x768xf32, #tpu.memory_space<hbm>> -> memref<32x768xf32, #tpu.memory_space<hbm>>
        %dma_wait3A_68 = arith.constant 0 : i32
        %dma_wait3A_69 = arith.constant 0 : i32
        %dma_wait3A_70 = tpu.memref_slice %arg4[%add3A, %dma_wait3A_68, %dma_wait3A_69] : memref<25x32x768xf32, #tpu.memory_space<hbm>> -> memref<1x32x768xf32, #tpu.memory_space<hbm>>
        %dma_wait3A_71 = tpu.memref_squeeze %dma_wait3A_70 : memref<1x32x768xf32, #tpu.memory_space<hbm>> -> memref<32x768xf32, #tpu.memory_space<hbm>>
        tpu.wait_dma2 semaphore(%run_scoped3A : memref<!tpu.dma_semaphore, #tpu.memory_space<semaphore_mem>>) src(%arg6 : memref<32x768xf32, #tpu.memory_space<vmem>>) dst(%dma_wait3A_71 : memref<32x768xf32, #tpu.memory_space<hbm>>)
        tpu.yield
      }) : () -> ()
    } else {
    }
    return
  }
}

module attributes {stable_mosaic.version = 14 : i64} {
  func.func @_sim_topk_body(%arg0: i32, %arg1: memref<197x32x768xf32, #tpu.memory_space<vmem>>, %arg2: memref<2048x768xf32, #tpu.memory_space<vmem>>, %arg3: memref<32x16384xf32, #tpu.memory_space<vmem>>, %arg4: memref<8x32xi32, #tpu.memory_space<vmem>>, %arg5: memref<1x1xf32, #tpu.memory_space<smem>>, %arg6: memref<32x768xbf16, #tpu.memory_space<vmem>>, %arg7: memref<8x32xf32, #tpu.memory_space<vmem>>, %arg8: memref<8x32xi32, #tpu.memory_space<vmem>>) attributes {dimension_semantics = [#tpu.dimension_semantics<arbitrary>], iteration_bounds = array<i64: 8>, scalar_prefetch = 0 : i64, scratch_operands = 3 : i64, tpu.core_type = #tpu.core_type<tc>, window_params = [{pipeline_mode = #tpu.pipeline_mode<synchronous>, transform_indices = @transform_0, window_bounds = array<i64: 197, 32, 768>}, {transform_indices = @transform_1, window_bounds = array<i64: 2048, 768>}, {pipeline_mode = #tpu.pipeline_mode<synchronous>, transform_indices = @transform_2, window_bounds = array<i64: 32, 16384>}, {pipeline_mode = #tpu.pipeline_mode<synchronous>, transform_indices = @transform_3, window_bounds = array<i64: 8, 32>}, {transform_indices = @transform_4, window_bounds = array<i64: 1, 1>}]} {
    %eq3A = arith.constant 0 : i32
    %eq3A_0 = arith.cmpi eq, %arg0, %eq3A : i32
    %convert_element_type3A = arith.extui %eq3A_0 : i1 to i32
    %cond3A = arith.constant 0 : i32
    %cond3A_1 = arith.cmpi ne, %convert_element_type3A, %cond3A : i32
    scf.if %cond3A_1 {
      %get3A_433 = arith.constant 0 : index
      %get3A_434 = arith.constant 0 : index
      %get3A_435 = arith.constant 0 : index
      %get3A_436 = vector.load %arg1[%get3A_433, %get3A_434, %get3A_435] : memref<197x32x768xf32, #tpu.memory_space<vmem>>, vector<197x32x768xf32>
      %reduce_sum3A_437 = arith.constant dense<0.000000e+00> : vector<32x768xf32>
      %reduce_sum3A_438 = vector.multi_reduction <add>, %get3A_436, %reduce_sum3A_437 [0] : vector<197x32x768xf32> to vector<32x768xf32>
      %mul3A_439 = arith.constant 0.00507614203 : f32
      %mul3A_440 = vector.broadcast %mul3A_439 : f32 to vector<32x768xf32>
      %mul3A_441 = arith.mulf %reduce_sum3A_438, %mul3A_440 : vector<32x768xf32>
      %mul3A_442 = arith.mulf %mul3A_441, %mul3A_441 : vector<32x768xf32>
      %reduce_sum3A_443 = arith.constant dense<0.000000e+00> : vector<32xf32>
      %reduce_sum3A_444 = vector.multi_reduction <add>, %mul3A_442, %reduce_sum3A_443 [1] : vector<32x768xf32> to vector<32xf32>
      %broadcast_in_dim3A_445 = vector.shape_cast %reduce_sum3A_444 : vector<32xf32> to vector<32x1xf32>
      %max3A_446 = arith.constant 9.99999996E-13 : f32
      %max3A_447 = vector.broadcast %max3A_446 : f32 to vector<32x1xf32>
      %max3A_448 = arith.maximumf %broadcast_in_dim3A_445, %max3A_447 : vector<32x1xf32>
      %rsqrt3A_449 = math.rsqrt %max3A_448 : vector<32x1xf32>
      %mul3A_450 = vector.broadcast %rsqrt3A_449 : vector<32x1xf32> to vector<32x768xf32>
      %mul3A_451 = arith.mulf %mul3A_441, %mul3A_450 : vector<32x768xf32>
      %convert_element_type3A_452 = arith.truncf %mul3A_451 : vector<32x768xf32> to vector<32x768xbf16>
      %swap3A_453 = arith.constant 0 : index
      %swap3A_454 = arith.constant 0 : index
      %swap3A_455 = vector.load %arg6[%swap3A_453, %swap3A_454] : memref<32x768xbf16, #tpu.memory_space<vmem>>, vector<32x768xbf16>
      tpu.vector_store %arg6[%swap3A_453, %swap3A_454], %convert_element_type3A_452 {strides = array<i32>} : memref<32x768xbf16, #tpu.memory_space<vmem>>, vector<32x768xbf16>,
      %broadcast_in_dim3A_456 = arith.constant 0xFF800000 : f32
      %broadcast_in_dim3A_457 = vector.broadcast %broadcast_in_dim3A_456 : f32 to vector<8x32xf32>
      %swap3A_458 = arith.constant 0 : index
      %swap3A_459 = arith.constant 0 : index
      %swap3A_460 = vector.load %arg7[%swap3A_458, %swap3A_459] : memref<8x32xf32, #tpu.memory_space<vmem>>, vector<8x32xf32>
      tpu.vector_store %arg7[%swap3A_458, %swap3A_459], %broadcast_in_dim3A_457 {strides = array<i32>} : memref<8x32xf32, #tpu.memory_space<vmem>>, vector<8x32xf32>,
      %broadcast_in_dim3A_461 = arith.constant 16384 : i32
      %broadcast_in_dim3A_462 = vector.broadcast %broadcast_in_dim3A_461 : i32 to vector<8x32xi32>
      %swap3A_463 = arith.constant 0 : index
      %swap3A_464 = arith.constant 0 : index
      %swap3A_465 = vector.load %arg8[%swap3A_463, %swap3A_464] : memref<8x32xi32, #tpu.memory_space<vmem>>, vector<8x32xi32>
      tpu.vector_store %arg8[%swap3A_463, %swap3A_464], %broadcast_in_dim3A_462 {strides = array<i32>} : memref<8x32xi32, #tpu.memory_space<vmem>>, vector<8x32xi32>,
    } else {
    }
    %get3A = arith.constant 0 : index
    %get3A_2 = arith.constant 0 : index
    %get3A_3 = vector.load %arg2[%get3A, %get3A_2] : memref<2048x768xf32, #tpu.memory_space<vmem>>, vector<2048x768xf32>
    %mul3A = arith.mulf %get3A_3, %get3A_3 : vector<2048x768xf32>
    %reduce_sum3A = arith.constant dense<0.000000e+00> : vector<2048xf32>
    %reduce_sum3A_4 = vector.multi_reduction <add>, %mul3A, %reduce_sum3A [1] : vector<2048x768xf32> to vector<2048xf32>
    %broadcast_in_dim3A = vector.shape_cast %reduce_sum3A_4 : vector<2048xf32> to vector<2048x1xf32>
    %max3A = arith.constant 9.99999996E-13 : f32
    %max3A_5 = vector.broadcast %max3A : f32 to vector<2048x1xf32>
    %max3A_6 = arith.maximumf %broadcast_in_dim3A, %max3A_5 : vector<2048x1xf32>
    %rsqrt3A = math.rsqrt %max3A_6 : vector<2048x1xf32>
    %mul3A_7 = vector.broadcast %rsqrt3A : vector<2048x1xf32> to vector<2048x768xf32>
    %mul3A_8 = arith.mulf %get3A_3, %mul3A_7 : vector<2048x768xf32>
    %convert_element_type3A_9 = arith.truncf %mul3A_8 : vector<2048x768xf32> to vector<2048x768xbf16>
    %get3A_10 = arith.constant 0 : index
    %get3A_11 = arith.constant 0 : index
    %get3A_12 = vector.load %arg6[%get3A_10, %get3A_11] : memref<32x768xbf16, #tpu.memory_space<vmem>>, vector<32x768xbf16>
    %dot_general3A = arith.constant dense<0.000000e+00> : vector<2048x32xf32>
    %dot_general3A_13 = tpu.matmul %convert_element_type3A_9, %get3A_12, %dot_general3A {dimension_numbers = #tpu.dot_dimension_numbers<[1], [1], [0], [0], [0, 0, 1, 0], [], []>, transpose_lhs_hint = false} : vector<2048x768xbf16>, vector<32x768xbf16>, vector<2048x32xf32> -> vector<2048x32xf32>
    %dot_general3A_14 = arith.constant dense<0.000000e+00> : vector<32x2048xf32>
    %dot_general3A_15 = tpu.matmul %get3A_12, %convert_element_type3A_9, %dot_general3A_14 {dimension_numbers = #tpu.dot_dimension_numbers<[1], [1], [0], [0], [0, 0, 1, 0], [], []>, transpose_lhs_hint = false} : vector<32x768xbf16>, vector<2048x768xbf16>, vector<32x2048xf32> -> vector<32x2048xf32>
    %mul3A_16 = arith.constant 2048 : i32
    %mul3A_17 = arith.muli %arg0, %mul3A_16 : i32
    %swap3A = arith.constant 0 : index
    %swap3A_18 = arith.index_cast %mul3A_17 : i32 to index
    %swap3A_19 = vector.load %arg3[%swap3A, %swap3A_18] : memref<32x16384xf32, #tpu.memory_space<vmem>>, vector<32x2048xf32>
    tpu.vector_store %arg3[%swap3A, %swap3A_18], %dot_general3A_15 {strides = array<i32>} : memref<32x16384xf32, #tpu.memory_space<vmem>>, vector<32x2048xf32>,
    %iota3A = tpu.iota {dimensions = array<i32: 0>} : vector<512x32xi32>
    %mul3A_20 = arith.constant 2048 : i32
    %mul3A_21 = arith.muli %arg0, %mul3A_20 : i32
    %add3A = vector.broadcast %mul3A_21 : i32 to vector<512x32xi32>
    %add3A_22 = arith.addi %iota3A, %add3A : vector<512x32xi32>
    %get3A_23 = arith.constant 0 : index
    %get3A_24 = arith.constant 0 : index
    %get3A_25 = vector.load %arg7[%get3A_23, %get3A_24] : memref<8x32xf32, #tpu.memory_space<vmem>>, vector<5x32xf32>
    %get3A_26 = arith.constant 0 : index
    %get3A_27 = arith.constant 0 : index
    %get3A_28 = vector.load %arg8[%get3A_26, %get3A_27] : memref<8x32xi32, #tpu.memory_space<vmem>>, vector<5x32xi32>
    %slice3A = vector.extract_strided_slice %dot_general3A_13 {offsets = [0, 0], sizes = [512, 32], strides = [1, 1]} : vector<2048x32xf32> to vector<512x32xf32>
    %add3A_29 = arith.constant 0 : i32
    %add3A_30 = vector.broadcast %add3A_29 : i32 to vector<512x32xi32>
    %add3A_31 = arith.addi %add3A_22, %add3A_30 : vector<512x32xi32>
    %reduce_max3A = arith.constant dense<0xFF800000> : vector<32xf32>
    %reduce_max3A_32 = vector.multi_reduction <maximumf>, %slice3A, %reduce_max3A [0] : vector<512x32xf32> to vector<32xf32>
    %broadcast_in_dim3A_33 = vector.shape_cast %reduce_max3A_32 : vector<32xf32> to vector<1x32xf32>
    %eq3A_34 = vector.broadcast %broadcast_in_dim3A_33 : vector<1x32xf32> to vector<512x32xf32>
    %eq3A_35 = arith.cmpf oeq, %slice3A, %eq3A_34 : vector<512x32xf32>
    %jit3A = arith.constant 16384 : i32
    %broadcast_in_dim3A_36 = vector.broadcast %jit3A : i32 to vector<512x32xi32>
    %select_n3A = arith.select %eq3A_35, %add3A_31, %broadcast_in_dim3A_36 : vector<512x32xi1>, vector<512x32xi32>
    %reduce_min3A = arith.constant dense<2147483647> : vector<32xi32>
    %reduce_min3A_37 = vector.multi_reduction <minsi>, %select_n3A, %reduce_min3A [0] : vector<512x32xi32> to vector<32xi32>
    %broadcast_in_dim3A_38 = vector.shape_cast %reduce_min3A_37 : vector<32xi32> to vector<1x32xi32>
    %eq3A_39 = vector.broadcast %broadcast_in_dim3A_38 : vector<1x32xi32> to vector<512x32xi32>
    %eq3A_40 = arith.cmpi eq, %add3A_31, %eq3A_39 : vector<512x32xi32>
    %jit3A_41 = arith.constant 0xFF800000 : f32
    %broadcast_in_dim3A_42 = vector.broadcast %jit3A_41 : f32 to vector<512x32xf32>
    %select_n3A_43 = arith.select %eq3A_40, %broadcast_in_dim3A_42, %slice3A : vector<512x32xi1>, vector<512x32xf32>
    %reduce_max3A_44 = arith.constant dense<0xFF800000> : vector<32xf32>
    %reduce_max3A_45 = vector.multi_reduction <maximumf>, %select_n3A_43, %reduce_max3A_44 [0] : vector<512x32xf32> to vector<32xf32>
    %broadcast_in_dim3A_46 = vector.shape_cast %reduce_max3A_45 : vector<32xf32> to vector<1x32xf32>
    %eq3A_47 = vector.broadcast %broadcast_in_dim3A_46 : vector<1x32xf32> to vector<512x32xf32>
    %eq3A_48 = arith.cmpf oeq, %select_n3A_43, %eq3A_47 : vector<512x32xf32>
    %jit3A_49 = arith.constant 16384 : i32
    %broadcast_in_dim3A_50 = vector.broadcast %jit3A_49 : i32 to vector<512x32xi32>
    %select_n3A_51 = arith.select %eq3A_48, %add3A_31, %broadcast_in_dim3A_50 : vector<512x32xi1>, vector<512x32xi32>
    %reduce_min3A_52 = arith.constant dense<2147483647> : vector<32xi32>
    %reduce_min3A_53 = vector.multi_reduction <minsi>, %select_n3A_51, %reduce_min3A_52 [0] : vector<512x32xi32> to vector<32xi32>
    %broadcast_in_dim3A_54 = vector.shape_cast %reduce_min3A_53 : vector<32xi32> to vector<1x32xi32>
    %eq3A_55 = vector.broadcast %broadcast_in_dim3A_54 : vector<1x32xi32> to vector<512x32xi32>
    %eq3A_56 = arith.cmpi eq, %add3A_31, %eq3A_55 : vector<512x32xi32>
    %jit3A_57 = arith.constant 0xFF800000 : f32
    %broadcast_in_dim3A_58 = vector.broadcast %jit3A_57 : f32 to vector<512x32xf32>
    %select_n3A_59 = arith.select %eq3A_56, %broadcast_in_dim3A_58, %select_n3A_43 : vector<512x32xi1>, vector<512x32xf32>
    %reduce_max3A_60 = arith.constant dense<0xFF800000> : vector<32xf32>
    %reduce_max3A_61 = vector.multi_reduction <maximumf>, %select_n3A_59, %reduce_max3A_60 [0] : vector<512x32xf32> to vector<32xf32>
    %broadcast_in_dim3A_62 = vector.shape_cast %reduce_max3A_61 : vector<32xf32> to vector<1x32xf32>
    %eq3A_63 = vector.broadcast %broadcast_in_dim3A_62 : vector<1x32xf32> to vector<512x32xf32>
    %eq3A_64 = arith.cmpf oeq, %select_n3A_59, %eq3A_63 : vector<512x32xf32>
    %jit3A_65 = arith.constant 16384 : i32
    %broadcast_in_dim3A_66 = vector.broadcast %jit3A_65 : i32 to vector<512x32xi32>
    %select_n3A_67 = arith.select %eq3A_64, %add3A_31, %broadcast_in_dim3A_66 : vector<512x32xi1>, vector<512x32xi32>
    %reduce_min3A_68 = arith.constant dense<2147483647> : vector<32xi32>
    %reduce_min3A_69 = vector.multi_reduction <minsi>, %select_n3A_67, %reduce_min3A_68 [0] : vector<512x32xi32> to vector<32xi32>
    %broadcast_in_dim3A_70 = vector.shape_cast %reduce_min3A_69 : vector<32xi32> to vector<1x32xi32>
    %eq3A_71 = vector.broadcast %broadcast_in_dim3A_70 : vector<1x32xi32> to vector<512x32xi32>
    %eq3A_72 = arith.cmpi eq, %add3A_31, %eq3A_71 : vector<512x32xi32>
    %jit3A_73 = arith.constant 0xFF800000 : f32
    %broadcast_in_dim3A_74 = vector.broadcast %jit3A_73 : f32 to vector<512x32xf32>
    %select_n3A_75 = arith.select %eq3A_72, %broadcast_in_dim3A_74, %select_n3A_59 : vector<512x32xi1>, vector<512x32xf32>
    %reduce_max3A_76 = arith.constant dense<0xFF800000> : vector<32xf32>
    %reduce_max3A_77 = vector.multi_reduction <maximumf>, %select_n3A_75, %reduce_max3A_76 [0] : vector<512x32xf32> to vector<32xf32>
    %broadcast_in_dim3A_78 = vector.shape_cast %reduce_max3A_77 : vector<32xf32> to vector<1x32xf32>
    %eq3A_79 = vector.broadcast %broadcast_in_dim3A_78 : vector<1x32xf32> to vector<512x32xf32>
    %eq3A_80 = arith.cmpf oeq, %select_n3A_75, %eq3A_79 : vector<512x32xf32>
    %jit3A_81 = arith.constant 16384 : i32
    %broadcast_in_dim3A_82 = vector.broadcast %jit3A_81 : i32 to vector<512x32xi32>
    %select_n3A_83 = arith.select %eq3A_80, %add3A_31, %broadcast_in_dim3A_82 : vector<512x32xi1>, vector<512x32xi32>
    %reduce_min3A_84 = arith.constant dense<2147483647> : vector<32xi32>
    %reduce_min3A_85 = vector.multi_reduction <minsi>, %select_n3A_83, %reduce_min3A_84 [0] : vector<512x32xi32> to vector<32xi32>
    %broadcast_in_dim3A_86 = vector.shape_cast %reduce_min3A_85 : vector<32xi32> to vector<1x32xi32>
    %eq3A_87 = vector.broadcast %broadcast_in_dim3A_86 : vector<1x32xi32> to vector<512x32xi32>
    %eq3A_88 = arith.cmpi eq, %add3A_31, %eq3A_87 : vector<512x32xi32>
    %jit3A_89 = arith.constant 0xFF800000 : f32
    %broadcast_in_dim3A_90 = vector.broadcast %jit3A_89 : f32 to vector<512x32xf32>
    %select_n3A_91 = arith.select %eq3A_88, %broadcast_in_dim3A_90, %select_n3A_75 : vector<512x32xi1>, vector<512x32xf32>
    %reduce_max3A_92 = arith.constant dense<0xFF800000> : vector<32xf32>
    %reduce_max3A_93 = vector.multi_reduction <maximumf>, %select_n3A_91, %reduce_max3A_92 [0] : vector<512x32xf32> to vector<32xf32>
    %broadcast_in_dim3A_94 = vector.shape_cast %reduce_max3A_93 : vector<32xf32> to vector<1x32xf32>
    %eq3A_95 = vector.broadcast %broadcast_in_dim3A_94 : vector<1x32xf32> to vector<512x32xf32>
    %eq3A_96 = arith.cmpf oeq, %select_n3A_91, %eq3A_95 : vector<512x32xf32>
    %jit3A_97 = arith.constant 16384 : i32
    %broadcast_in_dim3A_98 = vector.broadcast %jit3A_97 : i32 to vector<512x32xi32>
    %select_n3A_99 = arith.select %eq3A_96, %add3A_31, %broadcast_in_dim3A_98 : vector<512x32xi1>, vector<512x32xi32>
    %reduce_min3A_100 = arith.constant dense<2147483647> : vector<32xi32>
    %reduce_min3A_101 = vector.multi_reduction <minsi>, %select_n3A_99, %reduce_min3A_100 [0] : vector<512x32xi32> to vector<32xi32>
    %broadcast_in_dim3A_102 = vector.shape_cast %reduce_min3A_101 : vector<32xi32> to vector<1x32xi32>
    %slice3A_103 = vector.extract_strided_slice %dot_general3A_13 {offsets = [512, 0], sizes = [512, 32], strides = [1, 1]} : vector<2048x32xf32> to vector<512x32xf32>
    %add3A_104 = arith.constant 512 : i32
    %add3A_105 = vector.broadcast %add3A_104 : i32 to vector<512x32xi32>
    %add3A_106 = arith.addi %add3A_22, %add3A_105 : vector<512x32xi32>
    %reduce_max3A_107 = arith.constant dense<0xFF800000> : vector<32xf32>
    %reduce_max3A_108 = vector.multi_reduction <maximumf>, %slice3A_103, %reduce_max3A_107 [0] : vector<512x32xf32> to vector<32xf32>
    %broadcast_in_dim3A_109 = vector.shape_cast %reduce_max3A_108 : vector<32xf32> to vector<1x32xf32>
    %eq3A_110 = vector.broadcast %broadcast_in_dim3A_109 : vector<1x32xf32> to vector<512x32xf32>
    %eq3A_111 = arith.cmpf oeq, %slice3A_103, %eq3A_110 : vector<512x32xf32>
    %jit3A_112 = arith.constant 16384 : i32
    %broadcast_in_dim3A_113 = vector.broadcast %jit3A_112 : i32 to vector<512x32xi32>
    %select_n3A_114 = arith.select %eq3A_111, %add3A_106, %broadcast_in_dim3A_113 : vector<512x32xi1>, vector<512x32xi32>
    %reduce_min3A_115 = arith.constant dense<2147483647> : vector<32xi32>
    %reduce_min3A_116 = vector.multi_reduction <minsi>, %select_n3A_114, %reduce_min3A_115 [0] : vector<512x32xi32> to vector<32xi32>
    %broadcast_in_dim3A_117 = vector.shape_cast %reduce_min3A_116 : vector<32xi32> to vector<1x32xi32>
    %eq3A_118 = vector.broadcast %broadcast_in_dim3A_117 : vector<1x32xi32> to vector<512x32xi32>
    %eq3A_119 = arith.cmpi eq, %add3A_106, %eq3A_118 : vector<512x32xi32>
    %jit3A_120 = arith.constant 0xFF800000 : f32
    %broadcast_in_dim3A_121 = vector.broadcast %jit3A_120 : f32 to vector<512x32xf32>
    %select_n3A_122 = arith.select %eq3A_119, %broadcast_in_dim3A_121, %slice3A_103 : vector<512x32xi1>, vector<512x32xf32>
    %reduce_max3A_123 = arith.constant dense<0xFF800000> : vector<32xf32>
    %reduce_max3A_124 = vector.multi_reduction <maximumf>, %select_n3A_122, %reduce_max3A_123 [0] : vector<512x32xf32> to vector<32xf32>
    %broadcast_in_dim3A_125 = vector.shape_cast %reduce_max3A_124 : vector<32xf32> to vector<1x32xf32>
    %eq3A_126 = vector.broadcast %broadcast_in_dim3A_125 : vector<1x32xf32> to vector<512x32xf32>
    %eq3A_127 = arith.cmpf oeq, %select_n3A_122, %eq3A_126 : vector<512x32xf32>
    %jit3A_128 = arith.constant 16384 : i32
    %broadcast_in_dim3A_129 = vector.broadcast %jit3A_128 : i32 to vector<512x32xi32>
    %select_n3A_130 = arith.select %eq3A_127, %add3A_106, %broadcast_in_dim3A_129 : vector<512x32xi1>, vector<512x32xi32>
    %reduce_min3A_131 = arith.constant dense<2147483647> : vector<32xi32>
    %reduce_min3A_132 = vector.multi_reduction <minsi>, %select_n3A_130, %reduce_min3A_131 [0] : vector<512x32xi32> to vector<32xi32>
    %broadcast_in_dim3A_133 = vector.shape_cast %reduce_min3A_132 : vector<32xi32> to vector<1x32xi32>
    %eq3A_134 = vector.broadcast %broadcast_in_dim3A_133 : vector<1x32xi32> to vector<512x32xi32>
    %eq3A_135 = arith.cmpi eq, %add3A_106, %eq3A_134 : vector<512x32xi32>
    %jit3A_136 = arith.constant 0xFF800000 : f32
    %broadcast_in_dim3A_137 = vector.broadcast %jit3A_136 : f32 to vector<512x32xf32>
    %select_n3A_138 = arith.select %eq3A_135, %broadcast_in_dim3A_137, %select_n3A_122 : vector<512x32xi1>, vector<512x32xf32>
    %reduce_max3A_139 = arith.constant dense<0xFF800000> : vector<32xf32>
    %reduce_max3A_140 = vector.multi_reduction <maximumf>, %select_n3A_138, %reduce_max3A_139 [0] : vector<512x32xf32> to vector<32xf32>
    %broadcast_in_dim3A_141 = vector.shape_cast %reduce_max3A_140 : vector<32xf32> to vector<1x32xf32>
    %eq3A_142 = vector.broadcast %broadcast_in_dim3A_141 : vector<1x32xf32> to vector<512x32xf32>
    %eq3A_143 = arith.cmpf oeq, %select_n3A_138, %eq3A_142 : vector<512x32xf32>
    %jit3A_144 = arith.constant 16384 : i32
    %broadcast_in_dim3A_145 = vector.broadcast %jit3A_144 : i32 to vector<512x32xi32>
    %select_n3A_146 = arith.select %eq3A_143, %add3A_106, %broadcast_in_dim3A_145 : vector<512x32xi1>, vector<512x32xi32>
    %reduce_min3A_147 = arith.constant dense<2147483647> : vector<32xi32>
    %reduce_min3A_148 = vector.multi_reduction <minsi>, %select_n3A_146, %reduce_min3A_147 [0] : vector<512x32xi32> to vector<32xi32>
    %broadcast_in_dim3A_149 = vector.shape_cast %reduce_min3A_148 : vector<32xi32> to vector<1x32xi32>
    %eq3A_150 = vector.broadcast %broadcast_in_dim3A_149 : vector<1x32xi32> to vector<512x32xi32>
    %eq3A_151 = arith.cmpi eq, %add3A_106, %eq3A_150 : vector<512x32xi32>
    %jit3A_152 = arith.constant 0xFF800000 : f32
    %broadcast_in_dim3A_153 = vector.broadcast %jit3A_152 : f32 to vector<512x32xf32>
    %select_n3A_154 = arith.select %eq3A_151, %broadcast_in_dim3A_153, %select_n3A_138 : vector<512x32xi1>, vector<512x32xf32>
    %reduce_max3A_155 = arith.constant dense<0xFF800000> : vector<32xf32>
    %reduce_max3A_156 = vector.multi_reduction <maximumf>, %select_n3A_154, %reduce_max3A_155 [0] : vector<512x32xf32> to vector<32xf32>
    %broadcast_in_dim3A_157 = vector.shape_cast %reduce_max3A_156 : vector<32xf32> to vector<1x32xf32>
    %eq3A_158 = vector.broadcast %broadcast_in_dim3A_157 : vector<1x32xf32> to vector<512x32xf32>
    %eq3A_159 = arith.cmpf oeq, %select_n3A_154, %eq3A_158 : vector<512x32xf32>
    %jit3A_160 = arith.constant 16384 : i32
    %broadcast_in_dim3A_161 = vector.broadcast %jit3A_160 : i32 to vector<512x32xi32>
    %select_n3A_162 = arith.select %eq3A_159, %add3A_106, %broadcast_in_dim3A_161 : vector<512x32xi1>, vector<512x32xi32>
    %reduce_min3A_163 = arith.constant dense<2147483647> : vector<32xi32>
    %reduce_min3A_164 = vector.multi_reduction <minsi>, %select_n3A_162, %reduce_min3A_163 [0] : vector<512x32xi32> to vector<32xi32>
    %broadcast_in_dim3A_165 = vector.shape_cast %reduce_min3A_164 : vector<32xi32> to vector<1x32xi32>
    %eq3A_166 = vector.broadcast %broadcast_in_dim3A_165 : vector<1x32xi32> to vector<512x32xi32>
    %eq3A_167 = arith.cmpi eq, %add3A_106, %eq3A_166 : vector<512x32xi32>
    %jit3A_168 = arith.constant 0xFF800000 : f32
    %broadcast_in_dim3A_169 = vector.broadcast %jit3A_168 : f32 to vector<512x32xf32>
    %select_n3A_170 = arith.select %eq3A_167, %broadcast_in_dim3A_169, %select_n3A_154 : vector<512x32xi1>, vector<512x32xf32>
    %reduce_max3A_171 = arith.constant dense<0xFF800000> : vector<32xf32>
    %reduce_max3A_172 = vector.multi_reduction <maximumf>, %select_n3A_170, %reduce_max3A_171 [0] : vector<512x32xf32> to vector<32xf32>
    %broadcast_in_dim3A_173 = vector.shape_cast %reduce_max3A_172 : vector<32xf32> to vector<1x32xf32>
    %eq3A_174 = vector.broadcast %broadcast_in_dim3A_173 : vector<1x32xf32> to vector<512x32xf32>
    %eq3A_175 = arith.cmpf oeq, %select_n3A_170, %eq3A_174 : vector<512x32xf32>
    %jit3A_176 = arith.constant 16384 : i32
    %broadcast_in_dim3A_177 = vector.broadcast %jit3A_176 : i32 to vector<512x32xi32>
    %select_n3A_178 = arith.select %eq3A_175, %add3A_106, %broadcast_in_dim3A_177 : vector<512x32xi1>, vector<512x32xi32>
    %reduce_min3A_179 = arith.constant dense<2147483647> : vector<32xi32>
    %reduce_min3A_180 = vector.multi_reduction <minsi>, %select_n3A_178, %reduce_min3A_179 [0] : vector<512x32xi32> to vector<32xi32>
    %broadcast_in_dim3A_181 = vector.shape_cast %reduce_min3A_180 : vector<32xi32> to vector<1x32xi32>
    %slice3A_182 = vector.extract_strided_slice %dot_general3A_13 {offsets = [1024, 0], sizes = [512, 32], strides = [1, 1]} : vector<2048x32xf32> to vector<512x32xf32>
    %add3A_183 = arith.constant 1024 : i32
    %add3A_184 = vector.broadcast %add3A_183 : i32 to vector<512x32xi32>
    %add3A_185 = arith.addi %add3A_22, %add3A_184 : vector<512x32xi32>
    %reduce_max3A_186 = arith.constant dense<0xFF800000> : vector<32xf32>
    %reduce_max3A_187 = vector.multi_reduction <maximumf>, %slice3A_182, %reduce_max3A_186 [0] : vector<512x32xf32> to vector<32xf32>
    %broadcast_in_dim3A_188 = vector.shape_cast %reduce_max3A_187 : vector<32xf32> to vector<1x32xf32>
    %eq3A_189 = vector.broadcast %broadcast_in_dim3A_188 : vector<1x32xf32> to vector<512x32xf32>
    %eq3A_190 = arith.cmpf oeq, %slice3A_182, %eq3A_189 : vector<512x32xf32>
    %jit3A_191 = arith.constant 16384 : i32
    %broadcast_in_dim3A_192 = vector.broadcast %jit3A_191 : i32 to vector<512x32xi32>
    %select_n3A_193 = arith.select %eq3A_190, %add3A_185, %broadcast_in_dim3A_192 : vector<512x32xi1>, vector<512x32xi32>
    %reduce_min3A_194 = arith.constant dense<2147483647> : vector<32xi32>
    %reduce_min3A_195 = vector.multi_reduction <minsi>, %select_n3A_193, %reduce_min3A_194 [0] : vector<512x32xi32> to vector<32xi32>
    %broadcast_in_dim3A_196 = vector.shape_cast %reduce_min3A_195 : vector<32xi32> to vector<1x32xi32>
    %eq3A_197 = vector.broadcast %broadcast_in_dim3A_196 : vector<1x32xi32> to vector<512x32xi32>
    %eq3A_198 = arith.cmpi eq, %add3A_185, %eq3A_197 : vector<512x32xi32>
    %jit3A_199 = arith.constant 0xFF800000 : f32
    %broadcast_in_dim3A_200 = vector.broadcast %jit3A_199 : f32 to vector<512x32xf32>
    %select_n3A_201 = arith.select %eq3A_198, %broadcast_in_dim3A_200, %slice3A_182 : vector<512x32xi1>, vector<512x32xf32>
    %reduce_max3A_202 = arith.constant dense<0xFF800000> : vector<32xf32>
    %reduce_max3A_203 = vector.multi_reduction <maximumf>, %select_n3A_201, %reduce_max3A_202 [0] : vector<512x32xf32> to vector<32xf32>
    %broadcast_in_dim3A_204 = vector.shape_cast %reduce_max3A_203 : vector<32xf32> to vector<1x32xf32>
    %eq3A_205 = vector.broadcast %broadcast_in_dim3A_204 : vector<1x32xf32> to vector<512x32xf32>
    %eq3A_206 = arith.cmpf oeq, %select_n3A_201, %eq3A_205 : vector<512x32xf32>
    %jit3A_207 = arith.constant 16384 : i32
    %broadcast_in_dim3A_208 = vector.broadcast %jit3A_207 : i32 to vector<512x32xi32>
    %select_n3A_209 = arith.select %eq3A_206, %add3A_185, %broadcast_in_dim3A_208 : vector<512x32xi1>, vector<512x32xi32>
    %reduce_min3A_210 = arith.constant dense<2147483647> : vector<32xi32>
    %reduce_min3A_211 = vector.multi_reduction <minsi>, %select_n3A_209, %reduce_min3A_210 [0] : vector<512x32xi32> to vector<32xi32>
    %broadcast_in_dim3A_212 = vector.shape_cast %reduce_min3A_211 : vector<32xi32> to vector<1x32xi32>
    %eq3A_213 = vector.broadcast %broadcast_in_dim3A_212 : vector<1x32xi32> to vector<512x32xi32>
    %eq3A_214 = arith.cmpi eq, %add3A_185, %eq3A_213 : vector<512x32xi32>
    %jit3A_215 = arith.constant 0xFF800000 : f32
    %broadcast_in_dim3A_216 = vector.broadcast %jit3A_215 : f32 to vector<512x32xf32>
    %select_n3A_217 = arith.select %eq3A_214, %broadcast_in_dim3A_216, %select_n3A_201 : vector<512x32xi1>, vector<512x32xf32>
    %reduce_max3A_218 = arith.constant dense<0xFF800000> : vector<32xf32>
    %reduce_max3A_219 = vector.multi_reduction <maximumf>, %select_n3A_217, %reduce_max3A_218 [0] : vector<512x32xf32> to vector<32xf32>
    %broadcast_in_dim3A_220 = vector.shape_cast %reduce_max3A_219 : vector<32xf32> to vector<1x32xf32>
    %eq3A_221 = vector.broadcast %broadcast_in_dim3A_220 : vector<1x32xf32> to vector<512x32xf32>
    %eq3A_222 = arith.cmpf oeq, %select_n3A_217, %eq3A_221 : vector<512x32xf32>
    %jit3A_223 = arith.constant 16384 : i32
    %broadcast_in_dim3A_224 = vector.broadcast %jit3A_223 : i32 to vector<512x32xi32>
    %select_n3A_225 = arith.select %eq3A_222, %add3A_185, %broadcast_in_dim3A_224 : vector<512x32xi1>, vector<512x32xi32>
    %reduce_min3A_226 = arith.constant dense<2147483647> : vector<32xi32>
    %reduce_min3A_227 = vector.multi_reduction <minsi>, %select_n3A_225, %reduce_min3A_226 [0] : vector<512x32xi32> to vector<32xi32>
    %broadcast_in_dim3A_228 = vector.shape_cast %reduce_min3A_227 : vector<32xi32> to vector<1x32xi32>
    %eq3A_229 = vector.broadcast %broadcast_in_dim3A_228 : vector<1x32xi32> to vector<512x32xi32>
    %eq3A_230 = arith.cmpi eq, %add3A_185, %eq3A_229 : vector<512x32xi32>
    %jit3A_231 = arith.constant 0xFF800000 : f32
    %broadcast_in_dim3A_232 = vector.broadcast %jit3A_231 : f32 to vector<512x32xf32>
    %select_n3A_233 = arith.select %eq3A_230, %broadcast_in_dim3A_232, %select_n3A_217 : vector<512x32xi1>, vector<512x32xf32>
    %reduce_max3A_234 = arith.constant dense<0xFF800000> : vector<32xf32>
    %reduce_max3A_235 = vector.multi_reduction <maximumf>, %select_n3A_233, %reduce_max3A_234 [0] : vector<512x32xf32> to vector<32xf32>
    %broadcast_in_dim3A_236 = vector.shape_cast %reduce_max3A_235 : vector<32xf32> to vector<1x32xf32>
    %eq3A_237 = vector.broadcast %broadcast_in_dim3A_236 : vector<1x32xf32> to vector<512x32xf32>
    %eq3A_238 = arith.cmpf oeq, %select_n3A_233, %eq3A_237 : vector<512x32xf32>
    %jit3A_239 = arith.constant 16384 : i32
    %broadcast_in_dim3A_240 = vector.broadcast %jit3A_239 : i32 to vector<512x32xi32>
    %select_n3A_241 = arith.select %eq3A_238, %add3A_185, %broadcast_in_dim3A_240 : vector<512x32xi1>, vector<512x32xi32>
    %reduce_min3A_242 = arith.constant dense<2147483647> : vector<32xi32>
    %reduce_min3A_243 = vector.multi_reduction <minsi>, %select_n3A_241, %reduce_min3A_242 [0] : vector<512x32xi32> to vector<32xi32>
    %broadcast_in_dim3A_244 = vector.shape_cast %reduce_min3A_243 : vector<32xi32> to vector<1x32xi32>
    %eq3A_245 = vector.broadcast %broadcast_in_dim3A_244 : vector<1x32xi32> to vector<512x32xi32>
    %eq3A_246 = arith.cmpi eq, %add3A_185, %eq3A_245 : vector<512x32xi32>
    %jit3A_247 = arith.constant 0xFF800000 : f32
    %broadcast_in_dim3A_248 = vector.broadcast %jit3A_247 : f32 to vector<512x32xf32>
    %select_n3A_249 = arith.select %eq3A_246, %broadcast_in_dim3A_248, %select_n3A_233 : vector<512x32xi1>, vector<512x32xf32>
    %reduce_max3A_250 = arith.constant dense<0xFF800000> : vector<32xf32>
    %reduce_max3A_251 = vector.multi_reduction <maximumf>, %select_n3A_249, %reduce_max3A_250 [0] : vector<512x32xf32> to vector<32xf32>
    %broadcast_in_dim3A_252 = vector.shape_cast %reduce_max3A_251 : vector<32xf32> to vector<1x32xf32>
    %eq3A_253 = vector.broadcast %broadcast_in_dim3A_252 : vector<1x32xf32> to vector<512x32xf32>
    %eq3A_254 = arith.cmpf oeq, %select_n3A_249, %eq3A_253 : vector<512x32xf32>
    %jit3A_255 = arith.constant 16384 : i32
    %broadcast_in_dim3A_256 = vector.broadcast %jit3A_255 : i32 to vector<512x32xi32>
    %select_n3A_257 = arith.select %eq3A_254, %add3A_185, %broadcast_in_dim3A_256 : vector<512x32xi1>, vector<512x32xi32>
    %reduce_min3A_258 = arith.constant dense<2147483647> : vector<32xi32>
    %reduce_min3A_259 = vector.multi_reduction <minsi>, %select_n3A_257, %reduce_min3A_258 [0] : vector<512x32xi32> to vector<32xi32>
    %broadcast_in_dim3A_260 = vector.shape_cast %reduce_min3A_259 : vector<32xi32> to vector<1x32xi32>
    %slice3A_261 = vector.extract_strided_slice %dot_general3A_13 {offsets = [1536, 0], sizes = [512, 32], strides = [1, 1]} : vector<2048x32xf32> to vector<512x32xf32>
    %add3A_262 = arith.constant 1536 : i32
    %add3A_263 = vector.broadcast %add3A_262 : i32 to vector<512x32xi32>
    %add3A_264 = arith.addi %add3A_22, %add3A_263 : vector<512x32xi32>
    %reduce_max3A_265 = arith.constant dense<0xFF800000> : vector<32xf32>
    %reduce_max3A_266 = vector.multi_reduction <maximumf>, %slice3A_261, %reduce_max3A_265 [0] : vector<512x32xf32> to vector<32xf32>
    %broadcast_in_dim3A_267 = vector.shape_cast %reduce_max3A_266 : vector<32xf32> to vector<1x32xf32>
    %eq3A_268 = vector.broadcast %broadcast_in_dim3A_267 : vector<1x32xf32> to vector<512x32xf32>
    %eq3A_269 = arith.cmpf oeq, %slice3A_261, %eq3A_268 : vector<512x32xf32>
    %jit3A_270 = arith.constant 16384 : i32
    %broadcast_in_dim3A_271 = vector.broadcast %jit3A_270 : i32 to vector<512x32xi32>
    %select_n3A_272 = arith.select %eq3A_269, %add3A_264, %broadcast_in_dim3A_271 : vector<512x32xi1>, vector<512x32xi32>
    %reduce_min3A_273 = arith.constant dense<2147483647> : vector<32xi32>
    %reduce_min3A_274 = vector.multi_reduction <minsi>, %select_n3A_272, %reduce_min3A_273 [0] : vector<512x32xi32> to vector<32xi32>
    %broadcast_in_dim3A_275 = vector.shape_cast %reduce_min3A_274 : vector<32xi32> to vector<1x32xi32>
    %eq3A_276 = vector.broadcast %broadcast_in_dim3A_275 : vector<1x32xi32> to vector<512x32xi32>
    %eq3A_277 = arith.cmpi eq, %add3A_264, %eq3A_276 : vector<512x32xi32>
    %jit3A_278 = arith.constant 0xFF800000 : f32
    %broadcast_in_dim3A_279 = vector.broadcast %jit3A_278 : f32 to vector<512x32xf32>
    %select_n3A_280 = arith.select %eq3A_277, %broadcast_in_dim3A_279, %slice3A_261 : vector<512x32xi1>, vector<512x32xf32>
    %reduce_max3A_281 = arith.constant dense<0xFF800000> : vector<32xf32>
    %reduce_max3A_282 = vector.multi_reduction <maximumf>, %select_n3A_280, %reduce_max3A_281 [0] : vector<512x32xf32> to vector<32xf32>
    %broadcast_in_dim3A_283 = vector.shape_cast %reduce_max3A_282 : vector<32xf32> to vector<1x32xf32>
    %eq3A_284 = vector.broadcast %broadcast_in_dim3A_283 : vector<1x32xf32> to vector<512x32xf32>
    %eq3A_285 = arith.cmpf oeq, %select_n3A_280, %eq3A_284 : vector<512x32xf32>
    %jit3A_286 = arith.constant 16384 : i32
    %broadcast_in_dim3A_287 = vector.broadcast %jit3A_286 : i32 to vector<512x32xi32>
    %select_n3A_288 = arith.select %eq3A_285, %add3A_264, %broadcast_in_dim3A_287 : vector<512x32xi1>, vector<512x32xi32>
    %reduce_min3A_289 = arith.constant dense<2147483647> : vector<32xi32>
    %reduce_min3A_290 = vector.multi_reduction <minsi>, %select_n3A_288, %reduce_min3A_289 [0] : vector<512x32xi32> to vector<32xi32>
    %broadcast_in_dim3A_291 = vector.shape_cast %reduce_min3A_290 : vector<32xi32> to vector<1x32xi32>
    %eq3A_292 = vector.broadcast %broadcast_in_dim3A_291 : vector<1x32xi32> to vector<512x32xi32>
    %eq3A_293 = arith.cmpi eq, %add3A_264, %eq3A_292 : vector<512x32xi32>
    %jit3A_294 = arith.constant 0xFF800000 : f32
    %broadcast_in_dim3A_295 = vector.broadcast %jit3A_294 : f32 to vector<512x32xf32>
    %select_n3A_296 = arith.select %eq3A_293, %broadcast_in_dim3A_295, %select_n3A_280 : vector<512x32xi1>, vector<512x32xf32>
    %reduce_max3A_297 = arith.constant dense<0xFF800000> : vector<32xf32>
    %reduce_max3A_298 = vector.multi_reduction <maximumf>, %select_n3A_296, %reduce_max3A_297 [0] : vector<512x32xf32> to vector<32xf32>
    %broadcast_in_dim3A_299 = vector.shape_cast %reduce_max3A_298 : vector<32xf32> to vector<1x32xf32>
    %eq3A_300 = vector.broadcast %broadcast_in_dim3A_299 : vector<1x32xf32> to vector<512x32xf32>
    %eq3A_301 = arith.cmpf oeq, %select_n3A_296, %eq3A_300 : vector<512x32xf32>
    %jit3A_302 = arith.constant 16384 : i32
    %broadcast_in_dim3A_303 = vector.broadcast %jit3A_302 : i32 to vector<512x32xi32>
    %select_n3A_304 = arith.select %eq3A_301, %add3A_264, %broadcast_in_dim3A_303 : vector<512x32xi1>, vector<512x32xi32>
    %reduce_min3A_305 = arith.constant dense<2147483647> : vector<32xi32>
    %reduce_min3A_306 = vector.multi_reduction <minsi>, %select_n3A_304, %reduce_min3A_305 [0] : vector<512x32xi32> to vector<32xi32>
    %broadcast_in_dim3A_307 = vector.shape_cast %reduce_min3A_306 : vector<32xi32> to vector<1x32xi32>
    %eq3A_308 = vector.broadcast %broadcast_in_dim3A_307 : vector<1x32xi32> to vector<512x32xi32>
    %eq3A_309 = arith.cmpi eq, %add3A_264, %eq3A_308 : vector<512x32xi32>
    %jit3A_310 = arith.constant 0xFF800000 : f32
    %broadcast_in_dim3A_311 = vector.broadcast %jit3A_310 : f32 to vector<512x32xf32>
    %select_n3A_312 = arith.select %eq3A_309, %broadcast_in_dim3A_311, %select_n3A_296 : vector<512x32xi1>, vector<512x32xf32>
    %reduce_max3A_313 = arith.constant dense<0xFF800000> : vector<32xf32>
    %reduce_max3A_314 = vector.multi_reduction <maximumf>, %select_n3A_312, %reduce_max3A_313 [0] : vector<512x32xf32> to vector<32xf32>
    %broadcast_in_dim3A_315 = vector.shape_cast %reduce_max3A_314 : vector<32xf32> to vector<1x32xf32>
    %eq3A_316 = vector.broadcast %broadcast_in_dim3A_315 : vector<1x32xf32> to vector<512x32xf32>
    %eq3A_317 = arith.cmpf oeq, %select_n3A_312, %eq3A_316 : vector<512x32xf32>
    %jit3A_318 = arith.constant 16384 : i32
    %broadcast_in_dim3A_319 = vector.broadcast %jit3A_318 : i32 to vector<512x32xi32>
    %select_n3A_320 = arith.select %eq3A_317, %add3A_264, %broadcast_in_dim3A_319 : vector<512x32xi1>, vector<512x32xi32>
    %reduce_min3A_321 = arith.constant dense<2147483647> : vector<32xi32>
    %reduce_min3A_322 = vector.multi_reduction <minsi>, %select_n3A_320, %reduce_min3A_321 [0] : vector<512x32xi32> to vector<32xi32>
    %broadcast_in_dim3A_323 = vector.shape_cast %reduce_min3A_322 : vector<32xi32> to vector<1x32xi32>
    %eq3A_324 = vector.broadcast %broadcast_in_dim3A_323 : vector<1x32xi32> to vector<512x32xi32>
    %eq3A_325 = arith.cmpi eq, %add3A_264, %eq3A_324 : vector<512x32xi32>
    %jit3A_326 = arith.constant 0xFF800000 : f32
    %broadcast_in_dim3A_327 = vector.broadcast %jit3A_326 : f32 to vector<512x32xf32>
    %select_n3A_328 = arith.select %eq3A_325, %broadcast_in_dim3A_327, %select_n3A_312 : vector<512x32xi1>, vector<512x32xf32>
    %reduce_max3A_329 = arith.constant dense<0xFF800000> : vector<32xf32>
    %reduce_max3A_330 = vector.multi_reduction <maximumf>, %select_n3A_328, %reduce_max3A_329 [0] : vector<512x32xf32> to vector<32xf32>
    %broadcast_in_dim3A_331 = vector.shape_cast %reduce_max3A_330 : vector<32xf32> to vector<1x32xf32>
    %eq3A_332 = vector.broadcast %broadcast_in_dim3A_331 : vector<1x32xf32> to vector<512x32xf32>
    %eq3A_333 = arith.cmpf oeq, %select_n3A_328, %eq3A_332 : vector<512x32xf32>
    %jit3A_334 = arith.constant 16384 : i32
    %broadcast_in_dim3A_335 = vector.broadcast %jit3A_334 : i32 to vector<512x32xi32>
    %select_n3A_336 = arith.select %eq3A_333, %add3A_264, %broadcast_in_dim3A_335 : vector<512x32xi1>, vector<512x32xi32>
    %reduce_min3A_337 = arith.constant dense<2147483647> : vector<32xi32>
    %reduce_min3A_338 = vector.multi_reduction <minsi>, %select_n3A_336, %reduce_min3A_337 [0] : vector<512x32xi32> to vector<32xi32>
    %broadcast_in_dim3A_339 = vector.shape_cast %reduce_min3A_338 : vector<32xi32> to vector<1x32xi32>
    %concatenate3A = tpu.concatenate %get3A_25, %broadcast_in_dim3A_33, %broadcast_in_dim3A_46, %broadcast_in_dim3A_62, %broadcast_in_dim3A_78, %broadcast_in_dim3A_94, %broadcast_in_dim3A_109, %broadcast_in_dim3A_125, %broadcast_in_dim3A_141, %broadcast_in_dim3A_157, %broadcast_in_dim3A_173, %broadcast_in_dim3A_188, %broadcast_in_dim3A_204, %broadcast_in_dim3A_220, %broadcast_in_dim3A_236, %broadcast_in_dim3A_252, %broadcast_in_dim3A_267, %broadcast_in_dim3A_283, %broadcast_in_dim3A_299, %broadcast_in_dim3A_315, %broadcast_in_dim3A_331 in 0 : vector<5x32xf32>, vector<1x32xf32>, vector<1x32xf32>, vector<1x32xf32>, vector<1x32xf32>, vector<1x32xf32>, vector<1x32xf32>, vector<1x32xf32>, vector<1x32xf32>, vector<1x32xf32>, vector<1x32xf32>, vector<1x32xf32>, vector<1x32xf32>, vector<1x32xf32>, vector<1x32xf32>, vector<1x32xf32>, vector<1x32xf32>, vector<1x32xf32>, vector<1x32xf32>, vector<1x32xf32>, vector<1x32xf32> -> vector<25x32xf32>
    %concatenate3A_340 = tpu.concatenate %get3A_28, %broadcast_in_dim3A_38, %broadcast_in_dim3A_54, %broadcast_in_dim3A_70, %broadcast_in_dim3A_86, %broadcast_in_dim3A_102, %broadcast_in_dim3A_117, %broadcast_in_dim3A_133, %broadcast_in_dim3A_149, %broadcast_in_dim3A_165, %broadcast_in_dim3A_181, %broadcast_in_dim3A_196, %broadcast_in_dim3A_212, %broadcast_in_dim3A_228, %broadcast_in_dim3A_244, %broadcast_in_dim3A_260, %broadcast_in_dim3A_275, %broadcast_in_dim3A_291, %broadcast_in_dim3A_307, %broadcast_in_dim3A_323, %broadcast_in_dim3A_339 in 0 : vector<5x32xi32>, vector<1x32xi32>, vector<1x32xi32>, vector<1x32xi32>, vector<1x32xi32>, vector<1x32xi32>, vector<1x32xi32>, vector<1x32xi32>, vector<1x32xi32>, vector<1x32xi32>, vector<1x32xi32>, vector<1x32xi32>, vector<1x32xi32>, vector<1x32xi32>, vector<1x32xi32>, vector<1x32xi32>, vector<1x32xi32>, vector<1x32xi32>, vector<1x32xi32>, vector<1x32xi32>, vector<1x32xi32> -> vector<25x32xi32>
    %reduce_max3A_341 = arith.constant dense<0xFF800000> : vector<32xf32>
    %reduce_max3A_342 = vector.multi_reduction <maximumf>, %concatenate3A, %reduce_max3A_341 [0] : vector<25x32xf32> to vector<32xf32>
    %broadcast_in_dim3A_343 = vector.shape_cast %reduce_max3A_342 : vector<32xf32> to vector<1x32xf32>
    %eq3A_344 = vector.broadcast %broadcast_in_dim3A_343 : vector<1x32xf32> to vector<25x32xf32>
    %eq3A_345 = arith.cmpf oeq, %concatenate3A, %eq3A_344 : vector<25x32xf32>
    %jit3A_346 = arith.constant 16384 : i32
    %broadcast_in_dim3A_347 = vector.broadcast %jit3A_346 : i32 to vector<25x32xi32>
    %select_n3A_348 = arith.select %eq3A_345, %concatenate3A_340, %broadcast_in_dim3A_347 : vector<25x32xi1>, vector<25x32xi32>
    %reduce_min3A_349 = arith.constant dense<2147483647> : vector<32xi32>
    %reduce_min3A_350 = vector.multi_reduction <minsi>, %select_n3A_348, %reduce_min3A_349 [0] : vector<25x32xi32> to vector<32xi32>
    %broadcast_in_dim3A_351 = vector.shape_cast %reduce_min3A_350 : vector<32xi32> to vector<1x32xi32>
    %eq3A_352 = vector.broadcast %broadcast_in_dim3A_351 : vector<1x32xi32> to vector<25x32xi32>
    %eq3A_353 = arith.cmpi eq, %concatenate3A_340, %eq3A_352 : vector<25x32xi32>
    %jit3A_354 = arith.constant 0xFF800000 : f32
    %broadcast_in_dim3A_355 = vector.broadcast %jit3A_354 : f32 to vector<25x32xf32>
    %select_n3A_356 = arith.select %eq3A_353, %broadcast_in_dim3A_355, %concatenate3A : vector<25x32xi1>, vector<25x32xf32>
    %reduce_max3A_357 = arith.constant dense<0xFF800000> : vector<32xf32>
    %reduce_max3A_358 = vector.multi_reduction <maximumf>, %select_n3A_356, %reduce_max3A_357 [0] : vector<25x32xf32> to vector<32xf32>
    %broadcast_in_dim3A_359 = vector.shape_cast %reduce_max3A_358 : vector<32xf32> to vector<1x32xf32>
    %eq3A_360 = vector.broadcast %broadcast_in_dim3A_359 : vector<1x32xf32> to vector<25x32xf32>
    %eq3A_361 = arith.cmpf oeq, %select_n3A_356, %eq3A_360 : vector<25x32xf32>
    %jit3A_362 = arith.constant 16384 : i32
    %broadcast_in_dim3A_363 = vector.broadcast %jit3A_362 : i32 to vector<25x32xi32>
    %select_n3A_364 = arith.select %eq3A_361, %concatenate3A_340, %broadcast_in_dim3A_363 : vector<25x32xi1>, vector<25x32xi32>
    %reduce_min3A_365 = arith.constant dense<2147483647> : vector<32xi32>
    %reduce_min3A_366 = vector.multi_reduction <minsi>, %select_n3A_364, %reduce_min3A_365 [0] : vector<25x32xi32> to vector<32xi32>
    %broadcast_in_dim3A_367 = vector.shape_cast %reduce_min3A_366 : vector<32xi32> to vector<1x32xi32>
    %eq3A_368 = vector.broadcast %broadcast_in_dim3A_367 : vector<1x32xi32> to vector<25x32xi32>
    %eq3A_369 = arith.cmpi eq, %concatenate3A_340, %eq3A_368 : vector<25x32xi32>
    %jit3A_370 = arith.constant 0xFF800000 : f32
    %broadcast_in_dim3A_371 = vector.broadcast %jit3A_370 : f32 to vector<25x32xf32>
    %select_n3A_372 = arith.select %eq3A_369, %broadcast_in_dim3A_371, %select_n3A_356 : vector<25x32xi1>, vector<25x32xf32>
    %reduce_max3A_373 = arith.constant dense<0xFF800000> : vector<32xf32>
    %reduce_max3A_374 = vector.multi_reduction <maximumf>, %select_n3A_372, %reduce_max3A_373 [0] : vector<25x32xf32> to vector<32xf32>
    %broadcast_in_dim3A_375 = vector.shape_cast %reduce_max3A_374 : vector<32xf32> to vector<1x32xf32>
    %eq3A_376 = vector.broadcast %broadcast_in_dim3A_375 : vector<1x32xf32> to vector<25x32xf32>
    %eq3A_377 = arith.cmpf oeq, %select_n3A_372, %eq3A_376 : vector<25x32xf32>
    %jit3A_378 = arith.constant 16384 : i32
    %broadcast_in_dim3A_379 = vector.broadcast %jit3A_378 : i32 to vector<25x32xi32>
    %select_n3A_380 = arith.select %eq3A_377, %concatenate3A_340, %broadcast_in_dim3A_379 : vector<25x32xi1>, vector<25x32xi32>
    %reduce_min3A_381 = arith.constant dense<2147483647> : vector<32xi32>
    %reduce_min3A_382 = vector.multi_reduction <minsi>, %select_n3A_380, %reduce_min3A_381 [0] : vector<25x32xi32> to vector<32xi32>
    %broadcast_in_dim3A_383 = vector.shape_cast %reduce_min3A_382 : vector<32xi32> to vector<1x32xi32>
    %eq3A_384 = vector.broadcast %broadcast_in_dim3A_383 : vector<1x32xi32> to vector<25x32xi32>
    %eq3A_385 = arith.cmpi eq, %concatenate3A_340, %eq3A_384 : vector<25x32xi32>
    %jit3A_386 = arith.constant 0xFF800000 : f32
    %broadcast_in_dim3A_387 = vector.broadcast %jit3A_386 : f32 to vector<25x32xf32>
    %select_n3A_388 = arith.select %eq3A_385, %broadcast_in_dim3A_387, %select_n3A_372 : vector<25x32xi1>, vector<25x32xf32>
    %reduce_max3A_389 = arith.constant dense<0xFF800000> : vector<32xf32>
    %reduce_max3A_390 = vector.multi_reduction <maximumf>, %select_n3A_388, %reduce_max3A_389 [0] : vector<25x32xf32> to vector<32xf32>
    %broadcast_in_dim3A_391 = vector.shape_cast %reduce_max3A_390 : vector<32xf32> to vector<1x32xf32>
    %eq3A_392 = vector.broadcast %broadcast_in_dim3A_391 : vector<1x32xf32> to vector<25x32xf32>
    %eq3A_393 = arith.cmpf oeq, %select_n3A_388, %eq3A_392 : vector<25x32xf32>
    %jit3A_394 = arith.constant 16384 : i32
    %broadcast_in_dim3A_395 = vector.broadcast %jit3A_394 : i32 to vector<25x32xi32>
    %select_n3A_396 = arith.select %eq3A_393, %concatenate3A_340, %broadcast_in_dim3A_395 : vector<25x32xi1>, vector<25x32xi32>
    %reduce_min3A_397 = arith.constant dense<2147483647> : vector<32xi32>
    %reduce_min3A_398 = vector.multi_reduction <minsi>, %select_n3A_396, %reduce_min3A_397 [0] : vector<25x32xi32> to vector<32xi32>
    %broadcast_in_dim3A_399 = vector.shape_cast %reduce_min3A_398 : vector<32xi32> to vector<1x32xi32>
    %eq3A_400 = vector.broadcast %broadcast_in_dim3A_399 : vector<1x32xi32> to vector<25x32xi32>
    %eq3A_401 = arith.cmpi eq, %concatenate3A_340, %eq3A_400 : vector<25x32xi32>
    %jit3A_402 = arith.constant 0xFF800000 : f32
    %broadcast_in_dim3A_403 = vector.broadcast %jit3A_402 : f32 to vector<25x32xf32>
    %select_n3A_404 = arith.select %eq3A_401, %broadcast_in_dim3A_403, %select_n3A_388 : vector<25x32xi1>, vector<25x32xf32>
    %reduce_max3A_405 = arith.constant dense<0xFF800000> : vector<32xf32>
    %reduce_max3A_406 = vector.multi_reduction <maximumf>, %select_n3A_404, %reduce_max3A_405 [0] : vector<25x32xf32> to vector<32xf32>
    %broadcast_in_dim3A_407 = vector.shape_cast %reduce_max3A_406 : vector<32xf32> to vector<1x32xf32>
    %eq3A_408 = vector.broadcast %broadcast_in_dim3A_407 : vector<1x32xf32> to vector<25x32xf32>
    %eq3A_409 = arith.cmpf oeq, %select_n3A_404, %eq3A_408 : vector<25x32xf32>
    %jit3A_410 = arith.constant 16384 : i32
    %broadcast_in_dim3A_411 = vector.broadcast %jit3A_410 : i32 to vector<25x32xi32>
    %select_n3A_412 = arith.select %eq3A_409, %concatenate3A_340, %broadcast_in_dim3A_411 : vector<25x32xi1>, vector<25x32xi32>
    %reduce_min3A_413 = arith.constant dense<2147483647> : vector<32xi32>
    %reduce_min3A_414 = vector.multi_reduction <minsi>, %select_n3A_412, %reduce_min3A_413 [0] : vector<25x32xi32> to vector<32xi32>
    %broadcast_in_dim3A_415 = vector.shape_cast %reduce_min3A_414 : vector<32xi32> to vector<1x32xi32>
    %broadcast_in_dim3A_416 = arith.constant 0xFF800000 : f32
    %broadcast_in_dim3A_417 = vector.broadcast %broadcast_in_dim3A_416 : f32 to vector<3x32xf32>
    %broadcast_in_dim3A_418 = arith.constant 16384 : i32
    %broadcast_in_dim3A_419 = vector.broadcast %broadcast_in_dim3A_418 : i32 to vector<3x32xi32>
    %concatenate3A_420 = tpu.concatenate %broadcast_in_dim3A_343, %broadcast_in_dim3A_359, %broadcast_in_dim3A_375, %broadcast_in_dim3A_391, %broadcast_in_dim3A_407, %broadcast_in_dim3A_417 in 0 : vector<1x32xf32>, vector<1x32xf32>, vector<1x32xf32>, vector<1x32xf32>, vector<1x32xf32>, vector<3x32xf32> -> vector<8x32xf32>
    %swap3A_421 = arith.constant 0 : index
    %swap3A_422 = arith.constant 0 : index
    %swap3A_423 = vector.load %arg7[%swap3A_421, %swap3A_422] : memref<8x32xf32, #tpu.memory_space<vmem>>, vector<8x32xf32>
    tpu.vector_store %arg7[%swap3A_421, %swap3A_422], %concatenate3A_420 {strides = array<i32>} : memref<8x32xf32, #tpu.memory_space<vmem>>, vector<8x32xf32>,
    %concatenate3A_424 = tpu.concatenate %broadcast_in_dim3A_351, %broadcast_in_dim3A_367, %broadcast_in_dim3A_383, %broadcast_in_dim3A_399, %broadcast_in_dim3A_415, %broadcast_in_dim3A_419 in 0 : vector<1x32xi32>, vector<1x32xi32>, vector<1x32xi32>, vector<1x32xi32>, vector<1x32xi32>, vector<3x32xi32> -> vector<8x32xi32>
    %swap3A_425 = arith.constant 0 : index
    %swap3A_426 = arith.constant 0 : index
    %swap3A_427 = vector.load %arg8[%swap3A_425, %swap3A_426] : memref<8x32xi32, #tpu.memory_space<vmem>>, vector<8x32xi32>
    tpu.vector_store %arg8[%swap3A_425, %swap3A_426], %concatenate3A_424 {strides = array<i32>} : memref<8x32xi32, #tpu.memory_space<vmem>>, vector<8x32xi32>,
    %eq3A_428 = arith.constant 7 : i32
    %eq3A_429 = arith.cmpi eq, %arg0, %eq3A_428 : i32
    %convert_element_type3A_430 = arith.extui %eq3A_429 : i1 to i32
    %cond3A_431 = arith.constant 0 : i32
    %cond3A_432 = arith.cmpi ne, %convert_element_type3A_430, %cond3A_431 : i32
    scf.if %cond3A_432 {
      %broadcast_in_dim3A_433 = arith.constant 0 : i32
      %broadcast_in_dim3A_434 = vector.broadcast %broadcast_in_dim3A_433 : i32 to vector<3x32xi32>
      %concatenate3A_435 = tpu.concatenate %broadcast_in_dim3A_351, %broadcast_in_dim3A_367, %broadcast_in_dim3A_383, %broadcast_in_dim3A_399, %broadcast_in_dim3A_415, %broadcast_in_dim3A_434 in 0 : vector<1x32xi32>, vector<1x32xi32>, vector<1x32xi32>, vector<1x32xi32>, vector<1x32xi32>, vector<3x32xi32> -> vector<8x32xi32>
      %swap3A_436 = arith.constant 0 : index
      %swap3A_437 = arith.constant 0 : index
      %swap3A_438 = vector.load %arg4[%swap3A_436, %swap3A_437] : memref<8x32xi32, #tpu.memory_space<vmem>>, vector<8x32xi32>
      tpu.vector_store %arg4[%swap3A_436, %swap3A_437], %concatenate3A_435 {strides = array<i32>} : memref<8x32xi32, #tpu.memory_space<vmem>>, vector<8x32xi32>,
      %concatenate3A_439 = tpu.concatenate %broadcast_in_dim3A_343, %broadcast_in_dim3A_359, %broadcast_in_dim3A_375, %broadcast_in_dim3A_391, %broadcast_in_dim3A_407 in 0 : vector<1x32xf32>, vector<1x32xf32>, vector<1x32xf32>, vector<1x32xf32>, vector<1x32xf32> -> vector<5x32xf32>
      %reduce_sum3A_440 = vector.shape_cast %concatenate3A_439 : vector<5x32xf32> to vector<1x5x32xf32>
      %reduce_sum3A_441 = arith.constant dense<0.000000e+00> : vector<1xf32>
      %reduce_sum3A_442 = vector.multi_reduction <add>, %reduce_sum3A_440, %reduce_sum3A_441 [1, 2] : vector<1x5x32xf32> to vector<1xf32>
      %reduce_sum3A_443 = vector.shape_cast %reduce_sum3A_442 : vector<1xf32> to vector<1x1x1xf32>
      %reduce_sum3A_444 = vector.extract %reduce_sum3A_443[0, 0, 0] : f32 from vector<1x1x1xf32>
      %mul3A_445 = arith.constant 3.125000e-02 : f32
      %mul3A_446 = arith.mulf %reduce_sum3A_444, %mul3A_445 : f32
      %swap3A_447 = arith.constant 0 : index
      %swap3A_448 = arith.constant 0 : index
      %swap3A_449 = memref.load %arg5[%swap3A_447, %swap3A_448] : memref<1x1xf32, #tpu.memory_space<smem>>
      memref.store %mul3A_446, %arg5[%swap3A_447, %swap3A_448] : memref<1x1xf32, #tpu.memory_space<smem>>
    } else {
    }
    return
  }
  func.func @transform_0(%arg0: i32) -> (i32, i32, i32) {
    %c0_i32 = arith.constant 0 : i32
    %c0_i32_0 = arith.constant 0 : i32
    %c0_i32_1 = arith.constant 0 : i32
    %c0_i32_2 = arith.constant 0 : i32
    return %c0_i32, %c0_i32_0, %c0_i32_1 : i32, i32, i32
  }
  func.func @transform_1(%arg0: i32) -> (i32, i32) {
    %c0_i32 = arith.constant 0 : i32
    %c0_i32_0 = arith.constant 0 : i32
    return %arg0, %c0_i32 : i32, i32
  }
  func.func @transform_2(%arg0: i32) -> (i32, i32) {
    %c0_i32 = arith.constant 0 : i32
    %c0_i32_0 = arith.constant 0 : i32
    %c0_i32_1 = arith.constant 0 : i32
    return %c0_i32, %c0_i32_0 : i32, i32
  }
  func.func @transform_3(%arg0: i32) -> (i32, i32) {
    %c0_i32 = arith.constant 0 : i32
    %c0_i32_0 = arith.constant 0 : i32
    %c0_i32_1 = arith.constant 0 : i32
    return %c0_i32, %c0_i32_0 : i32, i32
  }
  func.func @transform_4(%arg0: i32) -> (i32, i32) {
    %c0_i32 = arith.constant 0 : i32
    %c0_i32_0 = arith.constant 0 : i32
    %c0_i32_1 = arith.constant 0 : i32
    return %c0_i32, %c0_i32_0 : i32, i32
  }
}

</mosaic_0001>

<sc_bundles>
// kernel: kernel.4.cloned.1.call-start
scs
__scs_entry_jumppad:
0x0: {  	(pc) =	sbr.rel $0x88, $3  }
0x1: {  	(tag) =	ssettag $0x0;
	lr =	simm.s32 $0x1  }
0x2: {  	[smem:$0x3F9E] =	sst lr;
	_ =	strace $0xD0000000  }
0x3: {  	_ = 	snop  }
0x4: {  	_ = 	snop  }
0x5: {  	_ = 	snop  }
0x6: {  	_ = 	snop  }
0x7: {  	_ = 	snop  }
__scs_overlays_trampoline_lowered:
0x8: {  	[smem:$0x3FAD] =	sst s0  }
0x9: {  	[smem:$0x3FAE] =	sst s1  }
0xa: {  	[smem:$0x3FAF] =	sst s2  }
0xb: {  	[smem:$0x3FB0] =	sst s3  }
0xc: {  	[smem:$0x3FB1] =	sst s4  }
0xd: {  	[smem:$0x3FB2] =	sst s5  }
0xe: {  	[smem:$0x3FB3] =	sst s6  }
0xf: {  	[smem:$0x3FB4] =	sst s7  }
0x10: {  	[smem:$0x3FB5] =	sst s8  }
0x11: {  	[smem:$0x3FB6] =	sst s9;
	s0 =	simm.s32 @!p0 $0x0  }
0x12: {  	s1 =	sld [smem:$0x3F9C];
	s0 =	simm.s32 @p0 $0x1  }
0x13: {  	[smem:$0x3FB7] =	sst s0;
	s0 =	simm.s32 @!p1 $0x0  }
0x14: {  	s2 =	sld [smem:$0x3F9B];
	s0 =	simm.s32 @p1 $0x1  }
0x15: {  	[smem:$0x3FB8] =	sst s0;
	s0 =	simm.s32 @!p2 $0x0  }
0x16: {  	s3 =	sld [smem:$0x3FDB];
	s0 =	simm.s32 @p2 $0x1  }
0x17: {  	s4 =	simm.s32 $0x1BF5;
	[smem:$0x3FBA] =	sst s0  }
0x18: {  	s0 =	sld [smem:$0x3F9D];
	_ =	swait.ge [sflag:s4], $0x0  }
0x19: {  	s7 =	sld [smem:$0x3F9E]  }
0x1a: {  	s8 =	sadd.s32 $0xFFFFE003, lr  }
0x1b: {  	s9 =	sadd.s32 $0xFFFFFEF7, lr;
	s5 =	simm.s32 $0xFFFFFFFF;
	p2 =	slt.u32 s8, $0xFFFFF086  }
0x1c: {  	p1 =	slt.u32 s9, $0xF7A;
	s5 =	simm.s32 @!p2 $0x0  }
0x1d: {  	s5 =	simm.s32 @p1 $0x1;
	p0 =	seq.s32 s7, s2  }
0x1e: {  	s7 =	smul.u32 @!p0 $0xF7A, s2;
	p2 =	seq.s32 @!p0 s5, $0x0  }
0x1f: {  	s9 =	smul.u32 $0xF7A, s1;
	s8 =	simm.s32 @!p0 $0x1BF5;
	p2 =	por !p2, p0  }
0x20: {  	[sflag:s8] =	ssyncset.s32 @!p0 $0xFFFFF086;
	s6 =	sadd.s32 @!p0 s3, s7;
	s7 =	simm.s32 @!p0 $0x108  }
0x21: {  	s3 =	sadd.s32 s3, s9;
	s6 =	sadd.s32 @!p0 $0x88, s6;
	s7 =	simm.s32 @p2 $0x1082  }
0x22: {  	[simem:s7], [sflag:s8] =	dma.local @!p0 [hbm:s6], $0xF7A  }
0x23: {  	s9 =	sor.u32 $0xD0000000, s2;
	s6 =	simm.s32 $0x108;
	_ =	swait.ge @!p0 [sflag:s8], $0x0  }
0x24: {  	s3 =	sadd.s32 $0x88, s3;
	s6 =	simm.s32 @!p1 $0x1082;
	[sflag:s4] =	ssyncset.s32 $0xFFFFF086  }
0x25: {  	[simem:s6], [sflag:s4] =	dma.local [hbm:s3], $0xF7A  }
0x26: {  	[smem:$0x3F9E] =	sst s1;
	(tag) =	ssettag s2;
	_ =	strace s9  }
0x27: {  	s1 =	sld [smem:$0x3FAE]  }
0x28: {  	s2 =	sld [smem:$0x3FAF]  }
0x29: {  	s4 =	sld [smem:$0x3FB1]  }
0x2a: {  	p0 =	seq.s32 s5, $0x0;
	s5 =	sld [smem:$0x3FB2]  }
0x2b: {  	s6 =	sld [smem:$0x3FB3]  }
0x2c: {  	s7 =	sld [smem:$0x3FB4]  }
0x2d: {  	s3 =	simm.s32 $0x108;
	s8 =	sld [smem:$0x3FB5]  }
0x2e: {  	s3 =	simm.s32 @!p0 $0x1082;
	s9 =	sld [smem:$0x3FB6]  }
0x2f: {  	lr =	sadd.s32 s0, s3;
	s0 =	sld [smem:$0x3FAD]  }
0x30: {  	s3 =	sld [smem:$0x3FB0]  }
0x31: {  	[smem:$0x3FB9] =	sst s10  }
0x32: {  	s10 =	sld [smem:$0x3FB7];
	_ =	sdelay $0x3  }
0x33: {  	p0 =	seq.s32 s10, $0x1;
	s10 =	sld [smem:$0x3FB9];
	_ =	sdelay $0x3  }
0x34: {  	[smem:$0x3FB9] =	sst s10  }
0x35: {  	s10 =	sld [smem:$0x3FB8];
	_ =	sdelay $0x3  }
0x36: {  	p1 =	seq.s32 s10, $0x1;
	s10 =	sld [smem:$0x3FB9];
	_ =	sdelay $0x3  }
0x37: {  	[smem:$0x3FB9] =	sst s10  }
0x38: {  	s10 =	sld [smem:$0x3FBA]  }
0x39: {  	_ = 	snop;
	(pc) =	sbr.ind lr, $3  }
0x3a: {  	_ = 	snop  }
0x3b: {  	_ = 	snop  }
0x3c: {  	p2 =	seq.s32 s10, $0x1;
	s10 =	sld [smem:$0x3FB9]  }
0x3d: {  	_ =	shalt  }
0x3e: {  	_ =	shalt  }
0x3f: {  	_ =	shalt  }
0x40: {  	_ =	shalt  }
0x41: {  	_ =	shalt  }
0x42: {  	_ =	shalt  }
0x43: {  	_ =	shalt  }
0x44: {  	_ =	shalt  }
0x45: {  	_ =	shalt  }
0x46: {  	_ =	shalt  }
0x47: {  	_ =	shalt  }
0x48: {  	_ =	shalt  }
0x49: {  	_ =	shalt  }
0x4a: {  	_ =	shalt  }
0x4b: {  	_ =	shalt  }
0x4c: {  	_ =	shalt  }
0x4d: {  	_ =	shalt  }
0x4e: {  	_ =	shalt  }
0x4f: {  	_ =	shalt  }
0x50: {  	_ =	shalt  }
0x51: {  	_ =	shalt  }
0x52: {  	_ =	shalt  }
0x53: {  	_ =	shalt  }
0x54: {  	_ =	shalt  }
0x55: {  	_ =	shalt  }
0x56: {  	_ =	shalt  }
0x57: {  	_ =	shalt  }
0x58: {  	_ =	shalt  }
0x59: {  	_ =	shalt  }
0x5a: {  	_ =	shalt  }
0x5b: {  	_ =	shalt  }
0x5c: {  	_ =	shalt  }
0x5d: {  	_ =	shalt  }
0x5e: {  	_ =	shalt  }
0x5f: {  	_ =	shalt  }
0x60: {  	_ =	shalt  }
0x61: {  	_ =	shalt  }
0x62: {  	_ =	shalt  }
0x63: {  	_ =	shalt  }
0x64: {  	_ =	shalt  }
0x65: {  	_ =	shalt  }
0x66: {  	_ =	shalt  }
0x67: {  	_ =	shalt  }
0x68: {  	_ =	shalt  }
0x69: {  	_ =	shalt  }
0x6a: {  	_ =	shalt  }
0x6b: {  	_ =	shalt  }
0x6c: {  	_ =	shalt  }
0x6d: {  	_ =	shalt  }
0x6e: {  	_ =	shalt  }
0x6f: {  	_ =	shalt  }
0x70: {  	_ =	shalt  }
0x71: {  	_ =	shalt  }
0x72: {  	_ =	shalt  }
0x73: {  	_ =	shalt  }
0x74: {  	_ =	shalt  }
0x75: {  	_ =	shalt  }
0x76: {  	_ =	shalt  }
0x77: {  	_ =	shalt  }
0x78: {  	_ =	shalt  }
0x79: {  	_ =	shalt  }
0x7a: {  	_ =	shalt  }
0x7b: {  	_ =	shalt  }
0x7c: {  	_ =	shalt  }
0x7d: {  	_ =	shalt  }
0x7e: {  	_ =	shalt  }
0x7f: {  	_ =	shalt  }
0x80: {  	_ =	shalt  }
0x81: {  	_ =	shalt  }
0x82: {  	_ =	shalt  }
0x83: {  	_ =	shalt  }
0x84: {  	_ =	shalt  }
0x85: {  	_ =	shalt  }
0x86: {  	_ =	shalt  }
0x87: {  	_ =	shalt  }
.Lfunc_end0:
.L_simem_size_0:
called_computation_lowered:
.L_overlay_start_0:
0x88: {  	s2 =	sld [smem:$0x3FD9]  }
0x89: {  	s3 =	sld [smem:$0x3FFE];
	_ =	sdelay $0x1  }
0x8a: {  	s1 =	srdreg.scid  }
0x8b: {  	s0 =	sand.u32 $0x1, s1  }
0x8c: {  	s14 =	sshll.u32 s0, $0xA;
	s2 =	sadd.s32 s3, s2  }
0x8d: {  	s2 =	sadd.s32 s2, s14  }
0x8e: {  	[smem:$0x3FC5] =	sst s2  }
0x8f: {  	_ = 	snop  }
0x90: {  	s2 =	sld [smem:$0x3FD0];
	_ =	sdelay $0x2  }
0x91: {  	s4 =	simm.s32 $0xA;
	s5 =	simm.s32 $0x10;
	s15 =	sld [smem:$0x3FC8]  }
0x92: {  	[smem:s5], [sflag:s4] =	dma.local [hbm:s2], $0x1  }
0x93: {  	_ =	swait.eq [sflag:s4], $0x1  }
0x94: {  	[sflag:s4] =	ssyncset.done $0x0  }
0x95: {  	[sflag:s4] =	ssyncadd.s32 $0xFFFFFFFF  }
0x96: {  	s16 =	sld [smem:$0x10];
	(tm) =	ssettm $0x1  }
0x97: {  	s17 =	sld [smem:$0x3FFB];
	_ =	sdelay $0x3  }
0x98: {  	_ =	strace s17  }
0x99: {  	s4 =	sld [smem:$0x3FFC];
	_ =	sdelay $0x3  }
0x9a: {  	_ =	strace s4  }
0x9b: {  	s4 =	sld [smem:$0x3FFD];
	_ =	sdelay $0x3  }
0x9c: {  	_ =	strace s4  }
0x9d: {  	_ =	strace $0x8FFFFFFF  }
0x9e: {  	s18 =	sld [smem:$0x3FDB];
	_ =	sdelay $0x1  }
0x9f: {  	s19 =	simm.s32 $_scs_section_size  }
0xa0: {  	s6 =	simm.s32 $_size__tile_overlayer_lowered;
	s7 =	simm.s32 $_tile_overlayer_lowered  }
0xa1: {  	s22 =	simm.s32 $0x1BFF;
	s21 =	sshll.u32 s7, $0x1;
	s4 =	sadd.s32 s19, s18  }
0xa2: {  	s8 =	simm.s32 $0x0;
	s20 =	sshll.u32 s6, $0x1;
	s6 =	sadd.s32 s21, s4  }
0xa3: {  	[timem:s8], [sflag:s22] =	dma.local [hbm:s6], s20  }
0xa4: {  	_ =	swait.ge [sflag:s22], s20  }
0xa5: {  	s5 =	ssub.s32 $0x0, s20;
	[sflag:s22] =	ssyncset.done $0x0  }
0xa6: {  	[sflag:s22] =	ssyncadd.s32 s5;
	_ =	sdelay $0x1  }
0xa7: {  	s23 =	simm.s32 $0x1B8B  }
0xa8: {  	_ =	swait.ge [sflag:s23], $0x1  }
0xa9: {  	[sflag:s23] =	ssyncset.done $0x0  }
0xaa: {  	s25 =	simm.s32 $0x1B8E;
	s24 =	sld [smem:$0x3FFE];
	[sflag:s23] =	ssyncadd.s32 $0xFFFFFFFF  }
0xab: {  	s26 =	simm.s32 $execute0_lowered;
	[smem:$0x3FD2] =	sst s25  }
0xac: {  	s6 =	sshll.u32 s26, $0x1;
	_ =	strace $0x80000046;
	[dreg:$0x1] =	wrdreg $0xFFFFFFFF  }
0xad: {  	s28 =	simm.s32 $_size_execute0_lowered;
	s4 =	sadd.s32 s4, s6;
	[dreg:$0x0] =	wrdreg $0x0  }
0xae: {  	s6 =	sshll.u32 s28, $0x1;
	[dreg:$0x2] =	wrdreg s4  }
0xaf: {  	[dreg:$0x3] =	wrdreg s6  }
0xb0: {  	[dreg:$0x4] =	wrdreg $0xC0  }
0xb1: {  	_ =	task [dreg:s8], $0x5FFFF  }
0xb2: {  	[dreg:$0x1] =	wrdreg $0xFFFFFFFF  }
0xb3: {  	[dreg:$0x0] =	wrdreg $0x60  }
0xb4: {  	[dreg:$0x2] =	wrdreg s15  }
0xb5: {  	[dreg:$0x3] =	wrdreg s24  }
0xb6: {  	[dreg:$0x4] =	wrdreg s16  }
0xb7: {  	[dreg:$0x5] =	wrdreg $0x9  }
0xb8: {  	_ =	task.clear_ibuf [dreg:s8], $0x6FFFF;
	_ =	strace $0x90000046  }
0xb9: {  	s29 =	simm.s32 $0x9;
	_ =	strace $0x80000048  }
0xba: {  	_ =	swait.ge [sflag:s29], $0x1  }
0xbb: {  	[sflag:s29] =	ssyncadd.s32 $0xFFFFFFFF  }
0xbc: {  	_ =	strace $0x90000048  }
0xbd: {  	_ =	sfence  }
0xbe: {  	s30 =	sld [smem:$0x0];
	_ =	sdelay $0x2  }
0xbf: {  	s31 =	sshll.u32 s1, $0xD;
	s1 =	sshrl.u32 s1, $0x2  }
0xc0: {  	s3 =	sand.u32 $0x4000, s31;
	s1 =	sadd.s32 s1, s30  }
0xc1: {  	s0 =	sor.u32 s3, s0;
	s1 =	sshll.u32 s1, $0x11  }
0xc2: {  	s0 =	sor.u32 s1, s0  }
0xc3: {  	s0 =	sadd.s32 $0x8F2B, s0  }
0xc4: {  	[sflag:s0] =	ssyncadd.remote.s32 $0x1  }
0xc5: {  	_ =	sfence.sel $0xFFFF  }
0xc6: {  	[dreg:$0x0] =	wrdreg $0xFFFFFFFF;
	(pc) =	sbr.abs _section_cstart, $3  }
0xc7: {  	[dreg:$0x1] =	wrdreg $0xFFFFFFFF  }
0xc8: {  	_ =	task.clear_ibuf [dreg:s8], $0x2FFFF;
	_ =	strace $0x9FFFFFFF  }
0xc9: {  	(tm) =	ssettm $0x7FFFFFFF  }
tec
execute0_lowered:
.L_overlay_start_1:
0x0: {  	(tag) =	ssettag $0x1  }
0x1: {  	s2 =	srdreg.scid;
	s0 =	stileid.u32  }
0x2: {  	s5 =	sand.u32 $0x1, s2;
	s7 =	sshll.u32 s0, $0x1  }
0x3: {  	s7 =	sor.u32 s5, s7  }
0x4: {  	p0 =	sgt.u32 s7, $0x18  }
.Ltmp0:
0x5: {  	s1 =	rddreg [dreg:$0x0];
	(pc) =	sbr.rel @p0 .LBB2_3-.Ltmp0, $4  }
0x6: {  	s4 =	rddreg [dreg:$0x1]  }
0x7: {  	s6 =	rddreg [dreg:$0x2];
	s3 =	simm.s32 $0x0  }
0x8: {  	[smem:$0x7FF] =	sst s3  }
0x9: {  	s2 =	rddreg [dreg:$0x3];
	_ =	strace $0x80000047  }
0xa: {  	s8 =	smul.u32 $0x34, s7;
	s10 =	sadd.s32 $0xA00, s4  }
0xb: {  	s4 =	sadd.s32 $0x100, s1;
	s30 =	smul.u32 $0xC00, s7;
	s31 =	ssub.s32 $0x2, s5  }
0xc: {  	s5 =	sadd.s32 $0x200, s1;
	s12 =	simm.s32 $0x1080;
	s13 =	simm.s32 $0x1880  }
0xd: {  	s14 =	simm.s32 $0x2080;
	s15 =	simm.s32 $0x2880;
	s16 =	simm.s32 $0x3080  }
0xe: {  	s18 =	simm.s32 $0x4080;
	s19 =	simm.s32 $0x4880;
	s9 =	sshrl.u32 s8, $0x8  }
0xf: {  	s20 =	simm.s32 $0x5080;
	s21 =	simm.s32 $0x5880;
	s9 =	smul.u32 $0x5, s9  }
0x10: {  	s22 =	simm.s32 $0x1;
	s11 =	sshrl.u32 s31, $0x1;
	s8 =	sshrl.u32 s8, $0x4  }
0x11: {  	s6 =	sadd.s32 s6, s30;
	s8 =	sand.u32 $0x70, s8;
	s9 =	ssub.s32 s7, s9  }
0x12: {  	v3 =	vlaneseq.u32;
	s7 =	sadd.s32 s8, s10;
	s10 =	simm.s32 $0x80;
	s9 =	sand.u32 $0xFF, s9  }
0x13: {  	vm0 =	vmmov $0xffff;
	v1 =	vand.u32 $0x7, v3;
	v2 =	vshrl.u32 v3, $0x3;
	s17 =	sshll.u32 s9, $0xE;
	s9 =	ssub.s32 s31, s11;
	s11 =	simm.s32 $0x880  }
0x14: {  	v3 =	vor.u32 $0x8, v3;
	v2 =	vmul.u32 $0x8, v2;
	s8 =	smax.u32 s9, $0x1;
	s9 =	simm.s32 $0x2;
	v0 =	vmov s17;
	s17 =	simm.s32 $0x3880  }
.LBB2_2:
0x15: {  	[tilespmem:s3], [sflag:$0x2] =	stream.linear.gather [hbm4b:s7+s3], $0x80, $0x38;
	[tilespmem:$0x6080] =	vst v63  }
0x16: {  	_ =	swait.ge [sflag:s9], $0x80  }
0x17: {  	[sflag:s9] =	ssyncset.done $0x0  }
0x18: {  	[sflag:s9] =	ssyncadd.s32 $0xFFFFFF80  }
0x19: {  	v4 =	vld [tilespmem:$0x0];
	_ =	sdelay $0x4  }
0x1a: {  	v5 =	vadd.s32 v0, v4  }
0x1b: {  	v6 =	vshrl.u32 v5, $0x3  }
0x1c: {  	v6 =	vmul.u32 $0x30, v6  }
0x1d: {  	v4 =	vand.u32 $0x7, v4  }
0x1e: {  	v4 =	vor.u32 v4, v6  }
0x1f: {  	v63 =	vld [tilespmem:$0x10];
	v7 =	vperm.xlane v4, v1;
	_ =	sdelay $0x1  }
0x20: {  	v7 =	vadd.s32 v2, v7;
	_ =	sdelay $0x2  }
0x21: {  	[tilespmem:$0x0] =	vst v5;
	v5 =	vadd.s32 v0, v63  }
0x22: {  	[tilespmem:$0x10] =	vst v5;
	v4 =	vperm.xlane v4, v3  }
0x23: {  	[tilespmem:s10], [sflag:$0x1] =	stream.indirect_vreg.gather [hbm4b:s1+s3], $0x80, v7, vm0, $0xb8;
	[tilespmem:$0x6080] =	vst v63  }
0x24: {  	v4 =	vadd.s32 v2, v4  }
0x25: {  	[tilespmem:s11], [sflag:$0x1] =	stream.indirect_vreg.gather [hbm4b:s4+s3], $0x80, v7, vm0, $0xb8;
	[tilespmem:$0x6080] =	vst v63  }
0x26: {  	_ = 	snop  }
0x27: {  	[tilespmem:s12], [sflag:$0x1] =	stream.indirect_vreg.gather [hbm4b:s5+s3], $0x80, v7, vm0, $0xb8;
	[tilespmem:$0x6080] =	vst v63  }
0x28: {  	_ = 	snop  }
0x29: {  	[tilespmem:s13], [sflag:$0x1] =	stream.indirect_vreg.gather [hbm4b:s1+s3], $0x80, v4, vm0, $0xb8;
	[tilespmem:$0x6080] =	vst v63  }
0x2a: {  	_ = 	snop  }
0x2b: {  	[tilespmem:s14], [sflag:$0x1] =	stream.indirect_vreg.gather [hbm4b:s4+s3], $0x80, v4, vm0, $0xb8;
	[tilespmem:$0x6080] =	vst v63  }
0x2c: {  	_ = 	snop  }
0x2d: {  	[tilespmem:s15], [sflag:$0x1] =	stream.indirect_vreg.gather [hbm4b:s5+s3], $0x80, v4, vm0, $0xb8;
	[tilespmem:$0x6080] =	vst v63  }
0x2e: {  	v4 =	vld [tilespmem:$0x10];
	_ =	sdelay $0x4  }
0x2f: {  	v5 =	vshrl.u32 v4, $0x3  }
0x30: {  	v5 =	vmul.u32 $0x30, v5  }
0x31: {  	v4 =	vand.u32 $0x7, v4  }
0x32: {  	v4 =	vor.u32 v4, v5  }
0x33: {  	v5 =	vperm.xlane v4, v1;
	_ =	sdelay $0x1  }
0x34: {  	v5 =	vadd.s32 v2, v5;
	_ =	sdelay $0x3  }
0x35: {  	v4 =	vperm.xlane v4, v3  }
0x36: {  	[tilespmem:s16], [sflag:$0x1] =	stream.indirect_vreg.gather [hbm4b:s1+s3], $0x80, v5, vm0, $0xb8;
	[tilespmem:$0x6080] =	vst v63  }
0x37: {  	v4 =	vadd.s32 v2, v4  }
0x38: {  	[tilespmem:s17], [sflag:$0x1] =	stream.indirect_vreg.gather [hbm4b:s4+s3], $0x80, v5, vm0, $0xb8;
	[tilespmem:$0x6080] =	vst v63  }
0x39: {  	_ = 	snop  }
0x3a: {  	[tilespmem:s18], [sflag:$0x1] =	stream.indirect_vreg.gather [hbm4b:s5+s3], $0x80, v5, vm0, $0xb8;
	[tilespmem:$0x6080] =	vst v63  }
0x3b: {  	_ = 	snop  }
0x3c: {  	[tilespmem:s19], [sflag:$0x1] =	stream.indirect_vreg.gather [hbm4b:s1+s3], $0x80, v4, vm0, $0xb8;
	[tilespmem:$0x6080] =	vst v63  }
0x3d: {  	_ = 	snop  }
0x3e: {  	[tilespmem:s20], [sflag:$0x1] =	stream.indirect_vreg.gather [hbm4b:s4+s3], $0x80, v4, vm0, $0xb8;
	[tilespmem:$0x6080] =	vst v63  }
0x3f: {  	_ = 	snop  }
0x40: {  	[tilespmem:s21], [sflag:$0x1] =	stream.indirect_vreg.gather [hbm4b:s5+s3], $0x80, v4, vm0, $0xb8;
	[tilespmem:$0x6080] =	vst v63  }
0x41: {  	_ =	swait.ge [sflag:s22], $0x6000  }
0x42: {  	p0 =	sne.s32 s8, $0x1;
	[sflag:s22] =	ssyncset.done $0x0  }
.Ltmp1:
0x43: {  	[sflag:s22] =	ssyncadd.s32 $0xFFFFA000;
	(pc) =	sbr.rel @p0 .LBB2_2-.Ltmp1, $4  }
0x44: {  	[hbm4b:s6+s3] =	stream.linear.scatter [tilespmem:s10], [sflag:$0x2], $0x6000, $0x38;
	[tilespmem:$0x6080] =	vst v63  }
0x45: {  	_ =	swait.ge [sflag:s9], $0x6000  }
0x46: {  	[sflag:s9] =	ssyncset.done $0x0  }
0x47: {  	s8 =	sadd.s32 $0xFFFFFFFF, s8;
	[sflag:s9] =	ssyncadd.s32 $0xFFFFA000  }
.LBB2_3:
0x48: {  	_ =	sfence.sel $0x180000  }
0x49: {  	[bflag:$0x0] =	sbarrier.arrive $0xFFFF  }
0x4a: {  	p0 =	sne.s32 s0, $0x0;
	_ =	strace $0x90000047  }
0x4b: {  	s0 =	sadd.s32 @!p0 $0x100000, s2;
	[bflag:$0x2] =	sbarrier.arrive $0xFFFF  }
0x4c: {  	[sflag:s0] =	ssyncadd.tile.s32 @!p0 $0x1;
	_ =	shalt  }
.Lfunc_end2:
_tile_overlayer_lowered:
.L_overlay_start_2:
0x4d: {  	(tag) =	ssettag $0x2  }
0x4e: {  	s0 =	rddreg [dreg:$0x0];
	s2 =	stileid.u32  }
0x4f: {  	s1 =	rddreg [dreg:$0x1];
	p0 =	sne.s32 s2, $0x0  }
0x50: {  	s3 =	rddreg [dreg:$0x2];
	[bflag:$0x3] =	sbarrier.arrive $0xFFFF;
	s2 =	simm.s32 @!p0 $0x1C02  }
0x51: {  	[timem:s3], [sflag:s2] =	dma.local @!p0 [hbm:s0], s1  }
0x52: {  	s0 =	simm.s32 @!p0 $0x2  }
0x53: {  	_ =	swait.ge @!p0 [sflag:s0], s1  }
0x54: {  	s1 =	ssub.s32 @!p0 $0x0, s1;
	[sflag:s0] =	ssyncset.done @!p0 $0x0  }
0x55: {  	[sflag:s0] =	ssyncadd.s32 @!p0 s1  }
0x56: {  	[bflag:$0x3] =	sbarrier.arrive $0xFFFF  }
0x57: {  	_ =	shalt  }

</sc_bundles>
